<compile_context>
chip_gen: v7x
topology: tpu7x:2x2x1
jax: 0.10.2.dev20260603
libtpu: 0.0.44.dev20260713+nightly
codegen_flags: <defaults>
</compile_context>

<pallas_src>
import jax
import jax.numpy as jnp
from jax import lax
from jax.experimental import pallas as pl
from jax.experimental.pallas import tpu as pltpu
from jax.experimental.pallas import tpu_sc as plsc

NC = 2
NS = 16
NW = NC * NS
BATCH = 1024
SEQ_LEN = 200
EMBED_DIM = 128
ROWS = BATCH * SEQ_LEN
ROWS_PER_W = ROWS // NW
SUPER = 2 * SEQ_LEN
NSUP = ROWS_PER_W // SUPER
IDX_MINOR = 100
IDX_PER_SUP = SUPER // IDX_MINOR
NGRP = EMBED_DIM // 16


def _sc_body(idx_hbm, tok_hbm, pos_hbm, out_hbm,
             ibufs, pos_v, bufs, psem, isems, gsems, gsems2, osems):
    wid = lax.axis_index("s") * NC + lax.axis_index("c")
    base_row = wid * ROWS_PER_W
    idx_base = wid * (NSUP * IDX_PER_SUP)

    def issue_idx(s, q):
        pltpu.async_copy(idx_hbm.at[pl.ds(idx_base + s * IDX_PER_SUP,
                                          IDX_PER_SUP)],
                         ibufs[q], isems[q])

    def wait_idx(q):
        pltpu.make_async_copy(idx_hbm.at[pl.ds(0, IDX_PER_SUP)], ibufs[q],
                              isems[q]).wait()

    def issue_gathers(q):
        for j in (0, 2, 1, 3):
            sem = gsems[q] if j % 2 == 0 else gsems2[q]
            pltpu.async_copy(tok_hbm.at[ibufs[q].at[j]],
                             bufs[q].at[pl.ds(j * IDX_MINOR, IDX_MINOR)],
                             sem)

    def wait_gathers_a(q):
        pltpu.make_async_copy(tok_hbm.at[pl.ds(0, SEQ_LEN)],
                              bufs[q].at[pl.ds(0, SEQ_LEN)], gsems[q]).wait()

    def wait_gathers_b(q):
        pltpu.make_async_copy(tok_hbm.at[pl.ds(0, SEQ_LEN)],
                              bufs[q].at[pl.ds(0, SEQ_LEN)], gsems2[q]).wait()

    def wait_out(q):
        pltpu.make_async_copy(bufs[q], out_hbm.at[pl.ds(0, SUPER)],
                              osems[q]).wait()

    def add_pos_half(q, lo):
        buf = bufs[q]

        @plsc.parallel_loop(lo, lo + IDX_MINOR, unroll=2)
        def _(r):
            for g in range(NGRP):
                x = pos_v[r, pl.ds(g * 16, 16)]
                plsc.addupdate(buf.at[r, pl.ds(g * 16, 16)], x)
                plsc.addupdate(buf.at[SEQ_LEN + r, pl.ds(g * 16, 16)], x)

    pltpu.sync_copy(idx_hbm.at[pl.ds(idx_base, IDX_PER_SUP)], ibufs[0])
    issue_gathers(0)
    issue_idx(1, 1)
    pltpu.async_copy(pos_hbm, pos_v, psem).wait()

    @pl.loop(0, NSUP // 2)
    def _(p):
        for q in range(2):
            s = 2 * p + q
            nq = 1 - q
            if q == 0:
                @pl.when(p > 0)
                def _():
                    wait_out(nq)
                wait_idx(nq)
                issue_gathers(nq)
            else:
                @pl.when(p < NSUP // 2 - 1)
                def _():
                    wait_out(nq)
                    wait_idx(nq)
                    issue_gathers(nq)

            wait_gathers_a(q)
            add_pos_half(q, 0)
            wait_gathers_b(q)
            @pl.when(p < NSUP // 2 - 1)
            def _():
                issue_idx(s + 2, q)

            add_pos_half(q, IDX_MINOR)
            pltpu.async_copy(bufs[q],
                             out_hbm.at[pl.ds(base_row + s * SUPER, SUPER)],
                             osems[q])

    wait_out(0)
    wait_out(1)


def kernel(inputs, token_table, pos_table):
    b, l = inputs.shape
    idx = inputs.reshape(-1, IDX_MINOR).astype(jnp.int32)
    mesh = plsc.VectorSubcoreMesh(core_axis_name="c", subcore_axis_name="s")
    out = pl.kernel(
        _sc_body,
        out_type=jax.ShapeDtypeStruct((ROWS, EMBED_DIM), jnp.float32),
        mesh=mesh,
        scratch_types=[
            tuple(pltpu.VMEM((IDX_PER_SUP, IDX_MINOR), jnp.int32)
                  for _ in range(2)),
            pltpu.VMEM((SEQ_LEN, EMBED_DIM), jnp.float32),
            tuple(pltpu.VMEM((SUPER, EMBED_DIM), jnp.float32)
                  for _ in range(2)),
            pltpu.SemaphoreType.DMA,
            tuple(pltpu.SemaphoreType.DMA for _ in range(2)),
            tuple(pltpu.SemaphoreType.DMA for _ in range(2)),
            tuple(pltpu.SemaphoreType.DMA for _ in range(2)),
            tuple(pltpu.SemaphoreType.DMA for _ in range(2)),
        ],
    )(idx, token_table, pos_table)
    return out.reshape(b, l, EMBED_DIM)

# --- scband reference (transcript-rebuilt; emitter-appended) ---
"""Pipeline reference for scband-positional-embedding-14276471292394 (READ-ONLY COPY).

The authoritative reference and input builder live on the scoring server;
editing this copy changes nothing except your own understanding.
"""

import jax, jax.numpy as jnp
import numpy as np

VOCAB = 100000
SEQ_LEN = 200
EMBED_DIM = 128
BATCH = 1024

def setup_inputs(seed: int = 0) -> dict:
    key = jax.random.key(seed)
    k1, k2, k3 = jax.random.split(key, 3)
    inputs = jax.random.randint(k1, (BATCH, SEQ_LEN), 0, VOCAB, dtype=jnp.int64 if jax.config.jax_enable_x64 else jnp.int32)
    token_table = jax.random.normal(k2, (VOCAB, EMBED_DIM), dtype=jnp.float32) * 0.02
    pos_table = jax.random.normal(k3, (SEQ_LEN, EMBED_DIM), dtype=jnp.float32) * 0.02
    return {"inputs": inputs, "token_table": token_table, "pos_table": pos_table}

def reference(inputs, token_table, pos_table):
    # TokenAndPositionEmbedding: token embedding lookup + position embedding, summed.
    tok = jnp.take(token_table, inputs, axis=0)            # [B, L, D]
    positions = jnp.arange(inputs.shape[1])
    pos = jnp.take(pos_table, positions, axis=0)            # [L, D]
    return tok + pos[None, :, :]

if __name__ == "__main__":
    import jax
    _d = setup_inputs()
    print(jax.jit(kernel)(*tuple(_d.values())))

</pallas_src>

<mosaic_0001>
#map = affine_map<(d0, d1) -> (0, 0)>
module attributes {stable_mosaic.version = 14 : i64} {
  func.func @_sc_body(%arg0: i32, %arg1: i32, %arg2: memref<2048x100xi32, #tpu.memory_space<hbm>>, %arg3: memref<100000x128xf32, #tpu.memory_space<hbm>>, %arg4: memref<200x128xf32, #tpu.memory_space<hbm>>, %arg5: memref<204800x128xf32, #tpu.memory_space<hbm>>, %arg6: memref<4x100xi32, #tpu.memory_space<vmem>>, %arg7: memref<4x100xi32, #tpu.memory_space<vmem>>, %arg8: memref<200x128xf32, #tpu.memory_space<vmem>>, %arg9: memref<400x128xf32, #tpu.memory_space<vmem>>, %arg10: memref<400x128xf32, #tpu.memory_space<vmem>>, %arg11: memref<!tpu.dma_semaphore, #tpu.memory_space<semaphore_mem>>, %arg12: memref<!tpu.dma_semaphore, #tpu.memory_space<semaphore_mem>>, %arg13: memref<!tpu.dma_semaphore, #tpu.memory_space<semaphore_mem>>, %arg14: memref<!tpu.dma_semaphore, #tpu.memory_space<semaphore_mem>>, %arg15: memref<!tpu.dma_semaphore, #tpu.memory_space<semaphore_mem>>, %arg16: memref<!tpu.dma_semaphore, #tpu.memory_space<semaphore_mem>>, %arg17: memref<!tpu.dma_semaphore, #tpu.memory_space<semaphore_mem>>, %arg18: memref<!tpu.dma_semaphore, #tpu.memory_space<semaphore_mem>>, %arg19: memref<!tpu.dma_semaphore, #tpu.memory_space<semaphore_mem>>) attributes {dimension_semantics = [#tpu.dimension_semantics<core_parallel>, #tpu.dimension_semantics<subcore_parallel>], iteration_bounds = array<i64: 2, 16>, scalar_prefetch = 0 : i64, scratch_operands = 14 : i64, tpu.core_type = #tpu.core_type<sc_vector_subcore>, window_params = [{transform_indices = #map}, {transform_indices = #map}, {transform_indices = #map}, {transform_indices = #map}]} {
    %mul3A = arith.constant 2 : i32
    %mul3A_0 = arith.muli %arg1, %mul3A : i32
    %add3A = arith.addi %mul3A_0, %arg0 : i32
    %mul3A_1 = arith.constant 6400 : i32
    %mul3A_2 = arith.muli %add3A, %mul3A_1 : i32
    %mul3A_3 = arith.constant 64 : i32
    %mul3A_4 = arith.muli %add3A, %mul3A_3 : i32
    "tpu.region"() ({
      %run_scoped3A = tpu.sem_alloc : memref<!tpu.dma_semaphore, #tpu.memory_space<semaphore_mem>>
      %dma_start3A_65 = arith.constant 0 : i32
      %dma_start3A_66 = tpu.memref_slice %arg2[%mul3A_4, %dma_start3A_65] : memref<2048x100xi32, #tpu.memory_space<hbm>> -> memref<4x100xi32, #tpu.memory_space<hbm>>
      %dma_start3A_67 = arith.constant 0 : i32
      %dma_start3A_68 = tpu.memref_slice %arg2[%mul3A_4, %dma_start3A_67] : memref<2048x100xi32, #tpu.memory_space<hbm>> -> memref<4x100xi32, #tpu.memory_space<hbm>>
      tpu.enqueue_dma source(%dma_start3A_68 : memref<4x100xi32, #tpu.memory_space<hbm>>) target(%arg6 : memref<4x100xi32, #tpu.memory_space<vmem>>) target_semaphore(%run_scoped3A : memref<!tpu.dma_semaphore, #tpu.memory_space<semaphore_mem>>)
      %dma_wait3A_69 = arith.constant 0 : i32
      %dma_wait3A_70 = tpu.memref_slice %arg2[%mul3A_4, %dma_wait3A_69] : memref<2048x100xi32, #tpu.memory_space<hbm>> -> memref<4x100xi32, #tpu.memory_space<hbm>>
      %dma_wait3A_71 = arith.constant 0 : i32
      %dma_wait3A_72 = tpu.memref_slice %arg2[%mul3A_4, %dma_wait3A_71] : memref<2048x100xi32, #tpu.memory_space<hbm>> -> memref<4x100xi32, #tpu.memory_space<hbm>>
      tpu.wait_dma2 semaphore(%run_scoped3A : memref<!tpu.dma_semaphore, #tpu.memory_space<semaphore_mem>>) src(%dma_wait3A_72 : memref<4x100xi32, #tpu.memory_space<hbm>>) dst(%arg6 : memref<4x100xi32, #tpu.memory_space<vmem>>)
      tpu.yield
    }) : () -> ()
    %dma_start3A = arith.constant 0 : i32
    %dma_start3A_5 = arith.constant 0 : i32
    %dma_start3A_6 = arith.constant 0 : i32
    %dma_start3A_7 = tpu.memref_slice %arg9[%dma_start3A_5, %dma_start3A_6] : memref<400x128xf32, #tpu.memory_space<vmem>> -> memref<100x128xf32, #tpu.memory_space<vmem>>
    %dma_start3A_8 = arith.constant 0 : i32
    %dma_start3A_9 = tpu.memref_slice %arg6[%dma_start3A, %dma_start3A_8] : memref<4x100xi32, #tpu.memory_space<vmem>> -> memref<1x100xi32, #tpu.memory_space<vmem>>
    %dma_start3A_10 = tpu.memref_squeeze %dma_start3A_9 : memref<1x100xi32, #tpu.memory_space<vmem>> -> memref<100xi32, #tpu.memory_space<vmem>>
    %dma_start3A_11 = arith.constant 0 : i32
    %dma_start3A_12 = arith.constant 0 : i32
    %dma_start3A_13 = tpu.memref_slice %arg3[%dma_start3A_11, %dma_start3A_12] : memref<100000x128xf32, #tpu.memory_space<hbm>> -> memref<100000x128xf32, #tpu.memory_space<hbm>>
    tpu.enqueue_indirect_dma source(%dma_start3A_13 : memref<100000x128xf32, #tpu.memory_space<hbm>>) target(%dma_start3A_7 : memref<100x128xf32, #tpu.memory_space<vmem>>) offsets(%dma_start3A_10 : memref<100xi32, #tpu.memory_space<vmem>>) semaphore(%arg14 : memref<!tpu.dma_semaphore, #tpu.memory_space<semaphore_mem>>)
    %dma_start3A_14 = arith.constant 2 : i32
    %dma_start3A_15 = arith.constant 200 : i32
    %dma_start3A_16 = arith.constant 0 : i32
    %dma_start3A_17 = tpu.memref_slice %arg9[%dma_start3A_15, %dma_start3A_16] : memref<400x128xf32, #tpu.memory_space<vmem>> -> memref<100x128xf32, #tpu.memory_space<vmem>>
    %dma_start3A_18 = arith.constant 0 : i32
    %dma_start3A_19 = tpu.memref_slice %arg6[%dma_start3A_14, %dma_start3A_18] : memref<4x100xi32, #tpu.memory_space<vmem>> -> memref<1x100xi32, #tpu.memory_space<vmem>>
    %dma_start3A_20 = tpu.memref_squeeze %dma_start3A_19 : memref<1x100xi32, #tpu.memory_space<vmem>> -> memref<100xi32, #tpu.memory_space<vmem>>
    %dma_start3A_21 = arith.constant 0 : i32
    %dma_start3A_22 = arith.constant 0 : i32
    %dma_start3A_23 = tpu.memref_slice %arg3[%dma_start3A_21, %dma_start3A_22] : memref<100000x128xf32, #tpu.memory_space<hbm>> -> memref<100000x128xf32, #tpu.memory_space<hbm>>
    tpu.enqueue_indirect_dma source(%dma_start3A_23 : memref<100000x128xf32, #tpu.memory_space<hbm>>) target(%dma_start3A_17 : memref<100x128xf32, #tpu.memory_space<vmem>>) offsets(%dma_start3A_20 : memref<100xi32, #tpu.memory_space<vmem>>) semaphore(%arg14 : memref<!tpu.dma_semaphore, #tpu.memory_space<semaphore_mem>>)
    %dma_start3A_24 = arith.constant 1 : i32
    %dma_start3A_25 = arith.constant 100 : i32
    %dma_start3A_26 = arith.constant 0 : i32
    %dma_start3A_27 = tpu.memref_slice %arg9[%dma_start3A_25, %dma_start3A_26] : memref<400x128xf32, #tpu.memory_space<vmem>> -> memref<100x128xf32, #tpu.memory_space<vmem>>
    %dma_start3A_28 = arith.constant 0 : i32
    %dma_start3A_29 = tpu.memref_slice %arg6[%dma_start3A_24, %dma_start3A_28] : memref<4x100xi32, #tpu.memory_space<vmem>> -> memref<1x100xi32, #tpu.memory_space<vmem>>
    %dma_start3A_30 = tpu.memref_squeeze %dma_start3A_29 : memref<1x100xi32, #tpu.memory_space<vmem>> -> memref<100xi32, #tpu.memory_space<vmem>>
    %dma_start3A_31 = arith.constant 0 : i32
    %dma_start3A_32 = arith.constant 0 : i32
    %dma_start3A_33 = tpu.memref_slice %arg3[%dma_start3A_31, %dma_start3A_32] : memref<100000x128xf32, #tpu.memory_space<hbm>> -> memref<100000x128xf32, #tpu.memory_space<hbm>>
    tpu.enqueue_indirect_dma source(%dma_start3A_33 : memref<100000x128xf32, #tpu.memory_space<hbm>>) target(%dma_start3A_27 : memref<100x128xf32, #tpu.memory_space<vmem>>) offsets(%dma_start3A_30 : memref<100xi32, #tpu.memory_space<vmem>>) semaphore(%arg16 : memref<!tpu.dma_semaphore, #tpu.memory_space<semaphore_mem>>)
    %dma_start3A_34 = arith.constant 3 : i32
    %dma_start3A_35 = arith.constant 300 : i32
    %dma_start3A_36 = arith.constant 0 : i32
    %dma_start3A_37 = tpu.memref_slice %arg9[%dma_start3A_35, %dma_start3A_36] : memref<400x128xf32, #tpu.memory_space<vmem>> -> memref<100x128xf32, #tpu.memory_space<vmem>>
    %dma_start3A_38 = arith.constant 0 : i32
    %dma_start3A_39 = tpu.memref_slice %arg6[%dma_start3A_34, %dma_start3A_38] : memref<4x100xi32, #tpu.memory_space<vmem>> -> memref<1x100xi32, #tpu.memory_space<vmem>>
    %dma_start3A_40 = tpu.memref_squeeze %dma_start3A_39 : memref<1x100xi32, #tpu.memory_space<vmem>> -> memref<100xi32, #tpu.memory_space<vmem>>
    %dma_start3A_41 = arith.constant 0 : i32
    %dma_start3A_42 = arith.constant 0 : i32
    %dma_start3A_43 = tpu.memref_slice %arg3[%dma_start3A_41, %dma_start3A_42] : memref<100000x128xf32, #tpu.memory_space<hbm>> -> memref<100000x128xf32, #tpu.memory_space<hbm>>
    tpu.enqueue_indirect_dma source(%dma_start3A_43 : memref<100000x128xf32, #tpu.memory_space<hbm>>) target(%dma_start3A_37 : memref<100x128xf32, #tpu.memory_space<vmem>>) offsets(%dma_start3A_40 : memref<100xi32, #tpu.memory_space<vmem>>) semaphore(%arg16 : memref<!tpu.dma_semaphore, #tpu.memory_space<semaphore_mem>>)
    %add3A_44 = arith.constant 4 : i32
    %add3A_45 = arith.addi %mul3A_4, %add3A_44 : i32
    %dma_start3A_46 = arith.constant 0 : i32
    %dma_start3A_47 = tpu.memref_slice %arg2[%add3A_45, %dma_start3A_46] : memref<2048x100xi32, #tpu.memory_space<hbm>> -> memref<4x100xi32, #tpu.memory_space<hbm>>
    %dma_start3A_48 = arith.constant 0 : i32
    %dma_start3A_49 = tpu.memref_slice %arg2[%add3A_45, %dma_start3A_48] : memref<2048x100xi32, #tpu.memory_space<hbm>> -> memref<4x100xi32, #tpu.memory_space<hbm>>
    tpu.enqueue_dma source(%dma_start3A_49 : memref<4x100xi32, #tpu.memory_space<hbm>>) target(%arg7 : memref<4x100xi32, #tpu.memory_space<vmem>>) target_semaphore(%arg13 : memref<!tpu.dma_semaphore, #tpu.memory_space<semaphore_mem>>)
    tpu.enqueue_dma source(%arg4 : memref<200x128xf32, #tpu.memory_space<hbm>>) target(%arg8 : memref<200x128xf32, #tpu.memory_space<vmem>>) target_semaphore(%arg11 : memref<!tpu.dma_semaphore, #tpu.memory_space<semaphore_mem>>)
    tpu.wait_dma2 semaphore(%arg11 : memref<!tpu.dma_semaphore, #tpu.memory_space<semaphore_mem>>) src(%arg4 : memref<200x128xf32, #tpu.memory_space<hbm>>) dst(%arg8 : memref<200x128xf32, #tpu.memory_space<vmem>>)
    %scan3A = arith.constant 0 : i32
    %scan3A_50 = arith.constant 8 : i32
    %scan3A_51 = arith.addi %scan3A, %scan3A_50 : i32
    %scan3A_52 = arith.constant 1 : i32
    scf.for %scan3A_65 = %scan3A to %scan3A_51 step %scan3A_52  : i32 {
      %mul3A_66 = arith.constant 1 : i32
      %mul3A_67 = arith.muli %scan3A_65, %mul3A_66 : i32
      %add3A_68 = arith.constant 0 : i32
      %add3A_69 = arith.addi %add3A_68, %mul3A_67 : i32
      %mul3A_70 = arith.constant 2 : i32
      %mul3A_71 = arith.muli %mul3A_70, %add3A_69 : i32
      %add3A_72 = arith.constant 0 : i32
      %add3A_73 = arith.addi %mul3A_71, %add3A_72 : i32
      %gt3A = arith.constant 0 : i32
      %gt3A_74 = arith.cmpi sgt, %add3A_69, %gt3A : i32
      %convert_element_type3A = arith.extui %gt3A_74 : i1 to i32
      %cond3A = arith.constant 0 : i32
      %cond3A_75 = arith.cmpi ne, %convert_element_type3A, %cond3A : i32
      scf.if %cond3A_75 {
        %dma_wait3A_213 = arith.constant 0 : i32
        %dma_wait3A_214 = arith.constant 0 : i32
        %dma_wait3A_215 = tpu.memref_slice %arg5[%dma_wait3A_213, %dma_wait3A_214] : memref<204800x128xf32, #tpu.memory_space<hbm>> -> memref<400x128xf32, #tpu.memory_space<hbm>>
        %dma_wait3A_216 = arith.constant 0 : i32
        %dma_wait3A_217 = arith.constant 0 : i32
        %dma_wait3A_218 = tpu.memref_slice %arg5[%dma_wait3A_216, %dma_wait3A_217] : memref<204800x128xf32, #tpu.memory_space<hbm>> -> memref<400x128xf32, #tpu.memory_space<hbm>>
        tpu.wait_dma2 semaphore(%arg19 : memref<!tpu.dma_semaphore, #tpu.memory_space<semaphore_mem>>) src(%arg10 : memref<400x128xf32, #tpu.memory_space<vmem>>) dst(%dma_wait3A_218 : memref<400x128xf32, #tpu.memory_space<hbm>>)
      } else {
      }
      %dma_wait3A_76 = arith.constant 0 : i32
      %dma_wait3A_77 = arith.constant 0 : i32
      %dma_wait3A_78 = tpu.memref_slice %arg2[%dma_wait3A_76, %dma_wait3A_77] : memref<2048x100xi32, #tpu.memory_space<hbm>> -> memref<4x100xi32, #tpu.memory_space<hbm>>
      %dma_wait3A_79 = arith.constant 0 : i32
      %dma_wait3A_80 = arith.constant 0 : i32
      %dma_wait3A_81 = tpu.memref_slice %arg2[%dma_wait3A_79, %dma_wait3A_80] : memref<2048x100xi32, #tpu.memory_space<hbm>> -> memref<4x100xi32, #tpu.memory_space<hbm>>
      tpu.wait_dma2 semaphore(%arg13 : memref<!tpu.dma_semaphore, #tpu.memory_space<semaphore_mem>>) src(%dma_wait3A_81 : memref<4x100xi32, #tpu.memory_space<hbm>>) dst(%arg7 : memref<4x100xi32, #tpu.memory_space<vmem>>)
      %dma_start3A_82 = arith.constant 0 : i32
      %dma_start3A_83 = arith.constant 0 : i32
      %dma_start3A_84 = arith.constant 0 : i32
      %dma_start3A_85 = tpu.memref_slice %arg10[%dma_start3A_83, %dma_start3A_84] : memref<400x128xf32, #tpu.memory_space<vmem>> -> memref<100x128xf32, #tpu.memory_space<vmem>>
      %dma_start3A_86 = arith.constant 0 : i32
      %dma_start3A_87 = tpu.memref_slice %arg7[%dma_start3A_82, %dma_start3A_86] : memref<4x100xi32, #tpu.memory_space<vmem>> -> memref<1x100xi32, #tpu.memory_space<vmem>>
      %dma_start3A_88 = tpu.memref_squeeze %dma_start3A_87 : memref<1x100xi32, #tpu.memory_space<vmem>> -> memref<100xi32, #tpu.memory_space<vmem>>
      %dma_start3A_89 = arith.constant 0 : i32
      %dma_start3A_90 = arith.constant 0 : i32
      %dma_start3A_91 = tpu.memref_slice %arg3[%dma_start3A_89, %dma_start3A_90] : memref<100000x128xf32, #tpu.memory_space<hbm>> -> memref<100000x128xf32, #tpu.memory_space<hbm>>
      tpu.enqueue_indirect_dma source(%dma_start3A_91 : memref<100000x128xf32, #tpu.memory_space<hbm>>) target(%dma_start3A_85 : memref<100x128xf32, #tpu.memory_space<vmem>>) offsets(%dma_start3A_88 : memref<100xi32, #tpu.memory_space<vmem>>) semaphore(%arg15 : memref<!tpu.dma_semaphore, #tpu.memory_space<semaphore_mem>>)
      %dma_start3A_92 = arith.constant 2 : i32
      %dma_start3A_93 = arith.constant 200 : i32
      %dma_start3A_94 = arith.constant 0 : i32
      %dma_start3A_95 = tpu.memref_slice %arg10[%dma_start3A_93, %dma_start3A_94] : memref<400x128xf32, #tpu.memory_space<vmem>> -> memref<100x128xf32, #tpu.memory_space<vmem>>
      %dma_start3A_96 = arith.constant 0 : i32
      %dma_start3A_97 = tpu.memref_slice %arg7[%dma_start3A_92, %dma_start3A_96] : memref<4x100xi32, #tpu.memory_space<vmem>> -> memref<1x100xi32, #tpu.memory_space<vmem>>
      %dma_start3A_98 = tpu.memref_squeeze %dma_start3A_97 : memref<1x100xi32, #tpu.memory_space<vmem>> -> memref<100xi32, #tpu.memory_space<vmem>>
      %dma_start3A_99 = arith.constant 0 : i32
      %dma_start3A_100 = arith.constant 0 : i32
      %dma_start3A_101 = tpu.memref_slice %arg3[%dma_start3A_99, %dma_start3A_100] : memref<100000x128xf32, #tpu.memory_space<hbm>> -> memref<100000x128xf32, #tpu.memory_space<hbm>>
      tpu.enqueue_indirect_dma source(%dma_start3A_101 : memref<100000x128xf32, #tpu.memory_space<hbm>>) target(%dma_start3A_95 : memref<100x128xf32, #tpu.memory_space<vmem>>) offsets(%dma_start3A_98 : memref<100xi32, #tpu.memory_space<vmem>>) semaphore(%arg15 : memref<!tpu.dma_semaphore, #tpu.memory_space<semaphore_mem>>)
      %dma_start3A_102 = arith.constant 1 : i32
      %dma_start3A_103 = arith.constant 100 : i32
      %dma_start3A_104 = arith.constant 0 : i32
      %dma_start3A_105 = tpu.memref_slice %arg10[%dma_start3A_103, %dma_start3A_104] : memref<400x128xf32, #tpu.memory_space<vmem>> -> memref<100x128xf32, #tpu.memory_space<vmem>>
      %dma_start3A_106 = arith.constant 0 : i32
      %dma_start3A_107 = tpu.memref_slice %arg7[%dma_start3A_102, %dma_start3A_106] : memref<4x100xi32, #tpu.memory_space<vmem>> -> memref<1x100xi32, #tpu.memory_space<vmem>>
      %dma_start3A_108 = tpu.memref_squeeze %dma_start3A_107 : memref<1x100xi32, #tpu.memory_space<vmem>> -> memref<100xi32, #tpu.memory_space<vmem>>
      %dma_start3A_109 = arith.constant 0 : i32
      %dma_start3A_110 = arith.constant 0 : i32
      %dma_start3A_111 = tpu.memref_slice %arg3[%dma_start3A_109, %dma_start3A_110] : memref<100000x128xf32, #tpu.memory_space<hbm>> -> memref<100000x128xf32, #tpu.memory_space<hbm>>
      tpu.enqueue_indirect_dma source(%dma_start3A_111 : memref<100000x128xf32, #tpu.memory_space<hbm>>) target(%dma_start3A_105 : memref<100x128xf32, #tpu.memory_space<vmem>>) offsets(%dma_start3A_108 : memref<100xi32, #tpu.memory_space<vmem>>) semaphore(%arg17 : memref<!tpu.dma_semaphore, #tpu.memory_space<semaphore_mem>>)
      %dma_start3A_112 = arith.constant 3 : i32
      %dma_start3A_113 = arith.constant 300 : i32
      %dma_start3A_114 = arith.constant 0 : i32
      %dma_start3A_115 = tpu.memref_slice %arg10[%dma_start3A_113, %dma_start3A_114] : memref<400x128xf32, #tpu.memory_space<vmem>> -> memref<100x128xf32, #tpu.memory_space<vmem>>
      %dma_start3A_116 = arith.constant 0 : i32
      %dma_start3A_117 = tpu.memref_slice %arg7[%dma_start3A_112, %dma_start3A_116] : memref<4x100xi32, #tpu.memory_space<vmem>> -> memref<1x100xi32, #tpu.memory_space<vmem>>
      %dma_start3A_118 = tpu.memref_squeeze %dma_start3A_117 : memref<1x100xi32, #tpu.memory_space<vmem>> -> memref<100xi32, #tpu.memory_space<vmem>>
      %dma_start3A_119 = arith.constant 0 : i32
      %dma_start3A_120 = arith.constant 0 : i32
      %dma_start3A_121 = tpu.memref_slice %arg3[%dma_start3A_119, %dma_start3A_120] : memref<100000x128xf32, #tpu.memory_space<hbm>> -> memref<100000x128xf32, #tpu.memory_space<hbm>>
      tpu.enqueue_indirect_dma source(%dma_start3A_121 : memref<100000x128xf32, #tpu.memory_space<hbm>>) target(%dma_start3A_115 : memref<100x128xf32, #tpu.memory_space<vmem>>) offsets(%dma_start3A_118 : memref<100xi32, #tpu.memory_space<vmem>>) semaphore(%arg17 : memref<!tpu.dma_semaphore, #tpu.memory_space<semaphore_mem>>)
      %dma_wait3A_122 = arith.constant 0 : i32
      %dma_wait3A_123 = arith.constant 0 : i32
      %dma_wait3A_124 = tpu.memref_slice %arg9[%dma_wait3A_122, %dma_wait3A_123] : memref<400x128xf32, #tpu.memory_space<vmem>> -> memref<200x128xf32, #tpu.memory_space<vmem>>
      %dma_wait3A_125 = arith.constant 0 : i32
      %dma_wait3A_126 = arith.constant 0 : i32
      %dma_wait3A_127 = tpu.memref_slice %arg3[%dma_wait3A_125, %dma_wait3A_126] : memref<100000x128xf32, #tpu.memory_space<hbm>> -> memref<200x128xf32, #tpu.memory_space<hbm>>
      %dma_wait3A_128 = arith.constant 0 : i32
      %dma_wait3A_129 = arith.constant 0 : i32
      %dma_wait3A_130 = tpu.memref_slice %arg9[%dma_wait3A_128, %dma_wait3A_129] : memref<400x128xf32, #tpu.memory_space<vmem>> -> memref<200x128xf32, #tpu.memory_space<vmem>>
      %dma_wait3A_131 = arith.constant 0 : i32
      %dma_wait3A_132 = arith.constant 0 : i32
      %dma_wait3A_133 = tpu.memref_slice %arg3[%dma_wait3A_131, %dma_wait3A_132] : memref<100000x128xf32, #tpu.memory_space<hbm>> -> memref<200x128xf32, #tpu.memory_space<hbm>>
      tpu.wait_dma2 semaphore(%arg14 : memref<!tpu.dma_semaphore, #tpu.memory_space<semaphore_mem>>) src(%dma_wait3A_133 : memref<200x128xf32, #tpu.memory_space<hbm>>) dst(%dma_wait3A_130 : memref<200x128xf32, #tpu.memory_space<vmem>>)
      %parallel_loop3A = arith.constant 0 : i32
      %parallel_loop3A_134 = arith.constant 100 : i32
      %parallel_loop3A_135 = arith.constant 1 : i32
      scf.for %parallel_loop3A_213 = %parallel_loop3A to %parallel_loop3A_134 step %parallel_loop3A_135  : i32 {
        %parallel_loop3A_214 = arith.index_cast %parallel_loop3A_213 : i32 to index
        %parallel_loop3A_215 = arith.constant 0 : index
        %parallel_loop3A_216 = tpu.vector_load %arg8[%parallel_loop3A_214, %parallel_loop3A_215] {strides = array<i32>} : memref<200x128xf32, #tpu.memory_space<vmem>>, vector<1x16xf32>,
        %parallel_loop3A_217 = vector.shape_cast %parallel_loop3A_216 : vector<1x16xf32> to vector<16xf32>
        %parallel_loop3A_218 = arith.index_cast %parallel_loop3A_213 : i32 to index
        %parallel_loop3A_219 = arith.constant 0 : index
        %parallel_loop3A_220 = tpu.vector_load %arg9[%parallel_loop3A_218, %parallel_loop3A_219] {strides = array<i32>} : memref<400x128xf32, #tpu.memory_space<vmem>>, vector<1x16xf32>,
        %parallel_loop3A_221 = vector.shape_cast %parallel_loop3A_220 : vector<1x16xf32> to vector<16xf32>
        %parallel_loop3A_222 = vector.shape_cast %parallel_loop3A_217 : vector<16xf32> to vector<1x16xf32>
        tpu.vector_store %arg9[%parallel_loop3A_218, %parallel_loop3A_219], %parallel_loop3A_222 {add = true, strides = array<i32>} : memref<400x128xf32, #tpu.memory_space<vmem>>, vector<1x16xf32>,
        %parallel_loop3A_223 = arith.constant 200 : i32
        %parallel_loop3A_224 = arith.addi %parallel_loop3A_223, %parallel_loop3A_213 : i32
        %parallel_loop3A_225 = arith.index_cast %parallel_loop3A_224 : i32 to index
        %parallel_loop3A_226 = arith.constant 0 : index
        %parallel_loop3A_227 = tpu.vector_load %arg9[%parallel_loop3A_225, %parallel_loop3A_226] {strides = array<i32>} : memref<400x128xf32, #tpu.memory_space<vmem>>, vector<1x16xf32>,
        %parallel_loop3A_228 = vector.shape_cast %parallel_loop3A_227 : vector<1x16xf32> to vector<16xf32>
        %parallel_loop3A_229 = vector.shape_cast %parallel_loop3A_217 : vector<16xf32> to vector<1x16xf32>
        tpu.vector_store %arg9[%parallel_loop3A_225, %parallel_loop3A_226], %parallel_loop3A_229 {add = true, strides = array<i32>} : memref<400x128xf32, #tpu.memory_space<vmem>>, vector<1x16xf32>,
        %parallel_loop3A_230 = arith.index_cast %parallel_loop3A_213 : i32 to index
        %parallel_loop3A_231 = arith.constant 16 : index
        %parallel_loop3A_232 = tpu.vector_load %arg8[%parallel_loop3A_230, %parallel_loop3A_231] {strides = array<i32>} : memref<200x128xf32, #tpu.memory_space<vmem>>, vector<1x16xf32>,
        %parallel_loop3A_233 = vector.shape_cast %parallel_loop3A_232 : vector<1x16xf32> to vector<16xf32>
        %parallel_loop3A_234 = arith.index_cast %parallel_loop3A_213 : i32 to index
        %parallel_loop3A_235 = arith.constant 16 : index
        %parallel_loop3A_236 = tpu.vector_load %arg9[%parallel_loop3A_234, %parallel_loop3A_235] {strides = array<i32>} : memref<400x128xf32, #tpu.memory_space<vmem>>, vector<1x16xf32>,
        %parallel_loop3A_237 = vector.shape_cast %parallel_loop3A_236 : vector<1x16xf32> to vector<16xf32>
        %parallel_loop3A_238 = vector.shape_cast %parallel_loop3A_233 : vector<16xf32> to vector<1x16xf32>
        tpu.vector_store %arg9[%parallel_loop3A_234, %parallel_loop3A_235], %parallel_loop3A_238 {add = true, strides = array<i32>} : memref<400x128xf32, #tpu.memory_space<vmem>>, vector<1x16xf32>,
        %parallel_loop3A_239 = arith.constant 200 : i32
        %parallel_loop3A_240 = arith.addi %parallel_loop3A_239, %parallel_loop3A_213 : i32
        %parallel_loop3A_241 = arith.index_cast %parallel_loop3A_240 : i32 to index
        %parallel_loop3A_242 = arith.constant 16 : index
        %parallel_loop3A_243 = tpu.vector_load %arg9[%parallel_loop3A_241, %parallel_loop3A_242] {strides = array<i32>} : memref<400x128xf32, #tpu.memory_space<vmem>>, vector<1x16xf32>,
        %parallel_loop3A_244 = vector.shape_cast %parallel_loop3A_243 : vector<1x16xf32> to vector<16xf32>
        %parallel_loop3A_245 = vector.shape_cast %parallel_loop3A_233 : vector<16xf32> to vector<1x16xf32>
        tpu.vector_store %arg9[%parallel_loop3A_241, %parallel_loop3A_242], %parallel_loop3A_245 {add = true, strides = array<i32>} : memref<400x128xf32, #tpu.memory_space<vmem>>, vector<1x16xf32>,
        %parallel_loop3A_246 = arith.index_cast %parallel_loop3A_213 : i32 to index
        %parallel_loop3A_247 = arith.constant 32 : index
        %parallel_loop3A_248 = tpu.vector_load %arg8[%parallel_loop3A_246, %parallel_loop3A_247] {strides = array<i32>} : memref<200x128xf32, #tpu.memory_space<vmem>>, vector<1x16xf32>,
        %parallel_loop3A_249 = vector.shape_cast %parallel_loop3A_248 : vector<1x16xf32> to vector<16xf32>
        %parallel_loop3A_250 = arith.index_cast %parallel_loop3A_213 : i32 to index
        %parallel_loop3A_251 = arith.constant 32 : index
        %parallel_loop3A_252 = tpu.vector_load %arg9[%parallel_loop3A_250, %parallel_loop3A_251] {strides = array<i32>} : memref<400x128xf32, #tpu.memory_space<vmem>>, vector<1x16xf32>,
        %parallel_loop3A_253 = vector.shape_cast %parallel_loop3A_252 : vector<1x16xf32> to vector<16xf32>
        %parallel_loop3A_254 = vector.shape_cast %parallel_loop3A_249 : vector<16xf32> to vector<1x16xf32>
        tpu.vector_store %arg9[%parallel_loop3A_250, %parallel_loop3A_251], %parallel_loop3A_254 {add = true, strides = array<i32>} : memref<400x128xf32, #tpu.memory_space<vmem>>, vector<1x16xf32>,
        %parallel_loop3A_255 = arith.constant 200 : i32
        %parallel_loop3A_256 = arith.addi %parallel_loop3A_255, %parallel_loop3A_213 : i32
        %parallel_loop3A_257 = arith.index_cast %parallel_loop3A_256 : i32 to index
        %parallel_loop3A_258 = arith.constant 32 : index
        %parallel_loop3A_259 = tpu.vector_load %arg9[%parallel_loop3A_257, %parallel_loop3A_258] {strides = array<i32>} : memref<400x128xf32, #tpu.memory_space<vmem>>, vector<1x16xf32>,
        %parallel_loop3A_260 = vector.shape_cast %parallel_loop3A_259 : vector<1x16xf32> to vector<16xf32>
        %parallel_loop3A_261 = vector.shape_cast %parallel_loop3A_249 : vector<16xf32> to vector<1x16xf32>
        tpu.vector_store %arg9[%parallel_loop3A_257, %parallel_loop3A_258], %parallel_loop3A_261 {add = true, strides = array<i32>} : memref<400x128xf32, #tpu.memory_space<vmem>>, vector<1x16xf32>,
        %parallel_loop3A_262 = arith.index_cast %parallel_loop3A_213 : i32 to index
        %parallel_loop3A_263 = arith.constant 48 : index
        %parallel_loop3A_264 = tpu.vector_load %arg8[%parallel_loop3A_262, %parallel_loop3A_263] {strides = array<i32>} : memref<200x128xf32, #tpu.memory_space<vmem>>, vector<1x16xf32>,
        %parallel_loop3A_265 = vector.shape_cast %parallel_loop3A_264 : vector<1x16xf32> to vector<16xf32>
        %parallel_loop3A_266 = arith.index_cast %parallel_loop3A_213 : i32 to index
        %parallel_loop3A_267 = arith.constant 48 : index
        %parallel_loop3A_268 = tpu.vector_load %arg9[%parallel_loop3A_266, %parallel_loop3A_267] {strides = array<i32>} : memref<400x128xf32, #tpu.memory_space<vmem>>, vector<1x16xf32>,
        %parallel_loop3A_269 = vector.shape_cast %parallel_loop3A_268 : vector<1x16xf32> to vector<16xf32>
        %parallel_loop3A_270 = vector.shape_cast %parallel_loop3A_265 : vector<16xf32> to vector<1x16xf32>
        tpu.vector_store %arg9[%parallel_loop3A_266, %parallel_loop3A_267], %parallel_loop3A_270 {add = true, strides = array<i32>} : memref<400x128xf32, #tpu.memory_space<vmem>>, vector<1x16xf32>,
        %parallel_loop3A_271 = arith.constant 200 : i32
        %parallel_loop3A_272 = arith.addi %parallel_loop3A_271, %parallel_loop3A_213 : i32
        %parallel_loop3A_273 = arith.index_cast %parallel_loop3A_272 : i32 to index
        %parallel_loop3A_274 = arith.constant 48 : index
        %parallel_loop3A_275 = tpu.vector_load %arg9[%parallel_loop3A_273, %parallel_loop3A_274] {strides = array<i32>} : memref<400x128xf32, #tpu.memory_space<vmem>>, vector<1x16xf32>,
        %parallel_loop3A_276 = vector.shape_cast %parallel_loop3A_275 : vector<1x16xf32> to vector<16xf32>
        %parallel_loop3A_277 = vector.shape_cast %parallel_loop3A_265 : vector<16xf32> to vector<1x16xf32>
        tpu.vector_store %arg9[%parallel_loop3A_273, %parallel_loop3A_274], %parallel_loop3A_277 {add = true, strides = array<i32>} : memref<400x128xf32, #tpu.memory_space<vmem>>, vector<1x16xf32>,
        %parallel_loop3A_278 = arith.index_cast %parallel_loop3A_213 : i32 to index
        %parallel_loop3A_279 = arith.constant 64 : index
        %parallel_loop3A_280 = tpu.vector_load %arg8[%parallel_loop3A_278, %parallel_loop3A_279] {strides = array<i32>} : memref<200x128xf32, #tpu.memory_space<vmem>>, vector<1x16xf32>,
        %parallel_loop3A_281 = vector.shape_cast %parallel_loop3A_280 : vector<1x16xf32> to vector<16xf32>
        %parallel_loop3A_282 = arith.index_cast %parallel_loop3A_213 : i32 to index
        %parallel_loop3A_283 = arith.constant 64 : index
        %parallel_loop3A_284 = tpu.vector_load %arg9[%parallel_loop3A_282, %parallel_loop3A_283] {strides = array<i32>} : memref<400x128xf32, #tpu.memory_space<vmem>>, vector<1x16xf32>,
        %parallel_loop3A_285 = vector.shape_cast %parallel_loop3A_284 : vector<1x16xf32> to vector<16xf32>
        %parallel_loop3A_286 = vector.shape_cast %parallel_loop3A_281 : vector<16xf32> to vector<1x16xf32>
        tpu.vector_store %arg9[%parallel_loop3A_282, %parallel_loop3A_283], %parallel_loop3A_286 {add = true, strides = array<i32>} : memref<400x128xf32, #tpu.memory_space<vmem>>, vector<1x16xf32>,
        %parallel_loop3A_287 = arith.constant 200 : i32
        %parallel_loop3A_288 = arith.addi %parallel_loop3A_287, %parallel_loop3A_213 : i32
        %parallel_loop3A_289 = arith.index_cast %parallel_loop3A_288 : i32 to index
        %parallel_loop3A_290 = arith.constant 64 : index
        %parallel_loop3A_291 = tpu.vector_load %arg9[%parallel_loop3A_289, %parallel_loop3A_290] {strides = array<i32>} : memref<400x128xf32, #tpu.memory_space<vmem>>, vector<1x16xf32>,
        %parallel_loop3A_292 = vector.shape_cast %parallel_loop3A_291 : vector<1x16xf32> to vector<16xf32>
        %parallel_loop3A_293 = vector.shape_cast %parallel_loop3A_281 : vector<16xf32> to vector<1x16xf32>
        tpu.vector_store %arg9[%parallel_loop3A_289, %parallel_loop3A_290], %parallel_loop3A_293 {add = true, strides = array<i32>} : memref<400x128xf32, #tpu.memory_space<vmem>>, vector<1x16xf32>,
        %parallel_loop3A_294 = arith.index_cast %parallel_loop3A_213 : i32 to index
        %parallel_loop3A_295 = arith.constant 80 : index
        %parallel_loop3A_296 = tpu.vector_load %arg8[%parallel_loop3A_294, %parallel_loop3A_295] {strides = array<i32>} : memref<200x128xf32, #tpu.memory_space<vmem>>, vector<1x16xf32>,
        %parallel_loop3A_297 = vector.shape_cast %parallel_loop3A_296 : vector<1x16xf32> to vector<16xf32>
        %parallel_loop3A_298 = arith.index_cast %parallel_loop3A_213 : i32 to index
        %parallel_loop3A_299 = arith.constant 80 : index
        %parallel_loop3A_300 = tpu.vector_load %arg9[%parallel_loop3A_298, %parallel_loop3A_299] {strides = array<i32>} : memref<400x128xf32, #tpu.memory_space<vmem>>, vector<1x16xf32>,
        %parallel_loop3A_301 = vector.shape_cast %parallel_loop3A_300 : vector<1x16xf32> to vector<16xf32>
        %parallel_loop3A_302 = vector.shape_cast %parallel_loop3A_297 : vector<16xf32> to vector<1x16xf32>
        tpu.vector_store %arg9[%parallel_loop3A_298, %parallel_loop3A_299], %parallel_loop3A_302 {add = true, strides = array<i32>} : memref<400x128xf32, #tpu.memory_space<vmem>>, vector<1x16xf32>,
        %parallel_loop3A_303 = arith.constant 200 : i32
        %parallel_loop3A_304 = arith.addi %parallel_loop3A_303, %parallel_loop3A_213 : i32
        %parallel_loop3A_305 = arith.index_cast %parallel_loop3A_304 : i32 to index
        %parallel_loop3A_306 = arith.constant 80 : index
        %parallel_loop3A_307 = tpu.vector_load %arg9[%parallel_loop3A_305, %parallel_loop3A_306] {strides = array<i32>} : memref<400x128xf32, #tpu.memory_space<vmem>>, vector<1x16xf32>,
        %parallel_loop3A_308 = vector.shape_cast %parallel_loop3A_307 : vector<1x16xf32> to vector<16xf32>
        %parallel_loop3A_309 = vector.shape_cast %parallel_loop3A_297 : vector<16xf32> to vector<1x16xf32>
        tpu.vector_store %arg9[%parallel_loop3A_305, %parallel_loop3A_306], %parallel_loop3A_309 {add = true, strides = array<i32>} : memref<400x128xf32, #tpu.memory_space<vmem>>, vector<1x16xf32>,
        %parallel_loop3A_310 = arith.index_cast %parallel_loop3A_213 : i32 to index
        %parallel_loop3A_311 = arith.constant 96 : index
        %parallel_loop3A_312 = tpu.vector_load %arg8[%parallel_loop3A_310, %parallel_loop3A_311] {strides = array<i32>} : memref<200x128xf32, #tpu.memory_space<vmem>>, vector<1x16xf32>,
        %parallel_loop3A_313 = vector.shape_cast %parallel_loop3A_312 : vector<1x16xf32> to vector<16xf32>
        %parallel_loop3A_314 = arith.index_cast %parallel_loop3A_213 : i32 to index
        %parallel_loop3A_315 = arith.constant 96 : index
        %parallel_loop3A_316 = tpu.vector_load %arg9[%parallel_loop3A_314, %parallel_loop3A_315] {strides = array<i32>} : memref<400x128xf32, #tpu.memory_space<vmem>>, vector<1x16xf32>,
        %parallel_loop3A_317 = vector.shape_cast %parallel_loop3A_316 : vector<1x16xf32> to vector<16xf32>
        %parallel_loop3A_318 = vector.shape_cast %parallel_loop3A_313 : vector<16xf32> to vector<1x16xf32>
        tpu.vector_store %arg9[%parallel_loop3A_314, %parallel_loop3A_315], %parallel_loop3A_318 {add = true, strides = array<i32>} : memref<400x128xf32, #tpu.memory_space<vmem>>, vector<1x16xf32>,
        %parallel_loop3A_319 = arith.constant 200 : i32
        %parallel_loop3A_320 = arith.addi %parallel_loop3A_319, %parallel_loop3A_213 : i32
        %parallel_loop3A_321 = arith.index_cast %parallel_loop3A_320 : i32 to index
        %parallel_loop3A_322 = arith.constant 96 : index
        %parallel_loop3A_323 = tpu.vector_load %arg9[%parallel_loop3A_321, %parallel_loop3A_322] {strides = array<i32>} : memref<400x128xf32, #tpu.memory_space<vmem>>, vector<1x16xf32>,
        %parallel_loop3A_324 = vector.shape_cast %parallel_loop3A_323 : vector<1x16xf32> to vector<16xf32>
        %parallel_loop3A_325 = vector.shape_cast %parallel_loop3A_313 : vector<16xf32> to vector<1x16xf32>
        tpu.vector_store %arg9[%parallel_loop3A_321, %parallel_loop3A_322], %parallel_loop3A_325 {add = true, strides = array<i32>} : memref<400x128xf32, #tpu.memory_space<vmem>>, vector<1x16xf32>,
        %parallel_loop3A_326 = arith.index_cast %parallel_loop3A_213 : i32 to index
        %parallel_loop3A_327 = arith.constant 112 : index
        %parallel_loop3A_328 = tpu.vector_load %arg8[%parallel_loop3A_326, %parallel_loop3A_327] {strides = array<i32>} : memref<200x128xf32, #tpu.memory_space<vmem>>, vector<1x16xf32>,
        %parallel_loop3A_329 = vector.shape_cast %parallel_loop3A_328 : vector<1x16xf32> to vector<16xf32>
        %parallel_loop3A_330 = arith.index_cast %parallel_loop3A_213 : i32 to index
        %parallel_loop3A_331 = arith.constant 112 : index
        %parallel_loop3A_332 = tpu.vector_load %arg9[%parallel_loop3A_330, %parallel_loop3A_331] {strides = array<i32>} : memref<400x128xf32, #tpu.memory_space<vmem>>, vector<1x16xf32>,
        %parallel_loop3A_333 = vector.shape_cast %parallel_loop3A_332 : vector<1x16xf32> to vector<16xf32>
        %parallel_loop3A_334 = vector.shape_cast %parallel_loop3A_329 : vector<16xf32> to vector<1x16xf32>
        tpu.vector_store %arg9[%parallel_loop3A_330, %parallel_loop3A_331], %parallel_loop3A_334 {add = true, strides = array<i32>} : memref<400x128xf32, #tpu.memory_space<vmem>>, vector<1x16xf32>,
        %parallel_loop3A_335 = arith.constant 200 : i32
        %parallel_loop3A_336 = arith.addi %parallel_loop3A_335, %parallel_loop3A_213 : i32
        %parallel_loop3A_337 = arith.index_cast %parallel_loop3A_336 : i32 to index
        %parallel_loop3A_338 = arith.constant 112 : index
        %parallel_loop3A_339 = tpu.vector_load %arg9[%parallel_loop3A_337, %parallel_loop3A_338] {strides = array<i32>} : memref<400x128xf32, #tpu.memory_space<vmem>>, vector<1x16xf32>,
        %parallel_loop3A_340 = vector.shape_cast %parallel_loop3A_339 : vector<1x16xf32> to vector<16xf32>
        %parallel_loop3A_341 = vector.shape_cast %parallel_loop3A_329 : vector<16xf32> to vector<1x16xf32>
        tpu.vector_store %arg9[%parallel_loop3A_337, %parallel_loop3A_338], %parallel_loop3A_341 {add = true, strides = array<i32>} : memref<400x128xf32, #tpu.memory_space<vmem>>, vector<1x16xf32>,
      } {sc.loop_unroll_factor = 2 : i64, sc.parallel_access}
      %dma_wait3A_136 = arith.constant 0 : i32
      %dma_wait3A_137 = arith.constant 0 : i32
      %dma_wait3A_138 = tpu.memref_slice %arg9[%dma_wait3A_136, %dma_wait3A_137] : memref<400x128xf32, #tpu.memory_space<vmem>> -> memref<200x128xf32, #tpu.memory_space<vmem>>
      %dma_wait3A_139 = arith.constant 0 : i32
      %dma_wait3A_140 = arith.constant 0 : i32
      %dma_wait3A_141 = tpu.memref_slice %arg3[%dma_wait3A_139, %dma_wait3A_140] : memref<100000x128xf32, #tpu.memory_space<hbm>> -> memref<200x128xf32, #tpu.memory_space<hbm>>
      %dma_wait3A_142 = arith.constant 0 : i32
      %dma_wait3A_143 = arith.constant 0 : i32
      %dma_wait3A_144 = tpu.memref_slice %arg9[%dma_wait3A_142, %dma_wait3A_143] : memref<400x128xf32, #tpu.memory_space<vmem>> -> memref<200x128xf32, #tpu.memory_space<vmem>>
      %dma_wait3A_145 = arith.constant 0 : i32
      %dma_wait3A_146 = arith.constant 0 : i32
      %dma_wait3A_147 = tpu.memref_slice %arg3[%dma_wait3A_145, %dma_wait3A_146] : memref<100000x128xf32, #tpu.memory_space<hbm>> -> memref<200x128xf32, #tpu.memory_space<hbm>>
      tpu.wait_dma2 semaphore(%arg16 : memref<!tpu.dma_semaphore, #tpu.memory_space<semaphore_mem>>) src(%dma_wait3A_147 : memref<200x128xf32, #tpu.memory_space<hbm>>) dst(%dma_wait3A_144 : memref<200x128xf32, #tpu.memory_space<vmem>>)
      %lt3A = arith.constant 7 : i32
      %lt3A_148 = arith.cmpi slt, %add3A_69, %lt3A : i32
      %convert_element_type3A_149 = arith.extui %lt3A_148 : i1 to i32
      %cond3A_150 = arith.constant 0 : i32
      %cond3A_151 = arith.cmpi ne, %convert_element_type3A_149, %cond3A_150 : i32
      scf.if %cond3A_151 {
        %add3A_213 = arith.constant 2 : i32
        %add3A_214 = arith.addi %add3A_73, %add3A_213 : i32
        %mul3A_215 = arith.constant 4 : i32
        %mul3A_216 = arith.muli %add3A_214, %mul3A_215 : i32
        %add3A_217 = arith.addi %mul3A_4, %mul3A_216 : i32
        %dma_start3A_218 = arith.constant 0 : i32
        %dma_start3A_219 = tpu.memref_slice %arg2[%add3A_217, %dma_start3A_218] : memref<2048x100xi32, #tpu.memory_space<hbm>> -> memref<4x100xi32, #tpu.memory_space<hbm>>
        %dma_start3A_220 = arith.constant 0 : i32
        %dma_start3A_221 = tpu.memref_slice %arg2[%add3A_217, %dma_start3A_220] : memref<2048x100xi32, #tpu.memory_space<hbm>> -> memref<4x100xi32, #tpu.memory_space<hbm>>
        tpu.enqueue_dma source(%dma_start3A_221 : memref<4x100xi32, #tpu.memory_space<hbm>>) target(%arg6 : memref<4x100xi32, #tpu.memory_space<vmem>>) target_semaphore(%arg12 : memref<!tpu.dma_semaphore, #tpu.memory_space<semaphore_mem>>)
      } else {
      }
      %parallel_loop3A_152 = arith.constant 100 : i32
      %parallel_loop3A_153 = arith.constant 200 : i32
      %parallel_loop3A_154 = arith.constant 1 : i32
      scf.for %parallel_loop3A_213 = %parallel_loop3A_152 to %parallel_loop3A_153 step %parallel_loop3A_154  : i32 {
        %parallel_loop3A_214 = arith.index_cast %parallel_loop3A_213 : i32 to index
        %parallel_loop3A_215 = arith.constant 0 : index
        %parallel_loop3A_216 = tpu.vector_load %arg8[%parallel_loop3A_214, %parallel_loop3A_215] {strides = array<i32>} : memref<200x128xf32, #tpu.memory_space<vmem>>, vector<1x16xf32>,
        %parallel_loop3A_217 = vector.shape_cast %parallel_loop3A_216 : vector<1x16xf32> to vector<16xf32>
        %parallel_loop3A_218 = arith.index_cast %parallel_loop3A_213 : i32 to index
        %parallel_loop3A_219 = arith.constant 0 : index
        %parallel_loop3A_220 = tpu.vector_load %arg9[%parallel_loop3A_218, %parallel_loop3A_219] {strides = array<i32>} : memref<400x128xf32, #tpu.memory_space<vmem>>, vector<1x16xf32>,
        %parallel_loop3A_221 = vector.shape_cast %parallel_loop3A_220 : vector<1x16xf32> to vector<16xf32>
        %parallel_loop3A_222 = vector.shape_cast %parallel_loop3A_217 : vector<16xf32> to vector<1x16xf32>
        tpu.vector_store %arg9[%parallel_loop3A_218, %parallel_loop3A_219], %parallel_loop3A_222 {add = true, strides = array<i32>} : memref<400x128xf32, #tpu.memory_space<vmem>>, vector<1x16xf32>,
        %parallel_loop3A_223 = arith.constant 200 : i32
        %parallel_loop3A_224 = arith.addi %parallel_loop3A_223, %parallel_loop3A_213 : i32
        %parallel_loop3A_225 = arith.index_cast %parallel_loop3A_224 : i32 to index
        %parallel_loop3A_226 = arith.constant 0 : index
        %parallel_loop3A_227 = tpu.vector_load %arg9[%parallel_loop3A_225, %parallel_loop3A_226] {strides = array<i32>} : memref<400x128xf32, #tpu.memory_space<vmem>>, vector<1x16xf32>,
        %parallel_loop3A_228 = vector.shape_cast %parallel_loop3A_227 : vector<1x16xf32> to vector<16xf32>
        %parallel_loop3A_229 = vector.shape_cast %parallel_loop3A_217 : vector<16xf32> to vector<1x16xf32>
        tpu.vector_store %arg9[%parallel_loop3A_225, %parallel_loop3A_226], %parallel_loop3A_229 {add = true, strides = array<i32>} : memref<400x128xf32, #tpu.memory_space<vmem>>, vector<1x16xf32>,
        %parallel_loop3A_230 = arith.index_cast %parallel_loop3A_213 : i32 to index
        %parallel_loop3A_231 = arith.constant 16 : index
        %parallel_loop3A_232 = tpu.vector_load %arg8[%parallel_loop3A_230, %parallel_loop3A_231] {strides = array<i32>} : memref<200x128xf32, #tpu.memory_space<vmem>>, vector<1x16xf32>,
        %parallel_loop3A_233 = vector.shape_cast %parallel_loop3A_232 : vector<1x16xf32> to vector<16xf32>
        %parallel_loop3A_234 = arith.index_cast %parallel_loop3A_213 : i32 to index
        %parallel_loop3A_235 = arith.constant 16 : index
        %parallel_loop3A_236 = tpu.vector_load %arg9[%parallel_loop3A_234, %parallel_loop3A_235] {strides = array<i32>} : memref<400x128xf32, #tpu.memory_space<vmem>>, vector<1x16xf32>,
        %parallel_loop3A_237 = vector.shape_cast %parallel_loop3A_236 : vector<1x16xf32> to vector<16xf32>
        %parallel_loop3A_238 = vector.shape_cast %parallel_loop3A_233 : vector<16xf32> to vector<1x16xf32>
        tpu.vector_store %arg9[%parallel_loop3A_234, %parallel_loop3A_235], %parallel_loop3A_238 {add = true, strides = array<i32>} : memref<400x128xf32, #tpu.memory_space<vmem>>, vector<1x16xf32>,
        %parallel_loop3A_239 = arith.constant 200 : i32
        %parallel_loop3A_240 = arith.addi %parallel_loop3A_239, %parallel_loop3A_213 : i32
        %parallel_loop3A_241 = arith.index_cast %parallel_loop3A_240 : i32 to index
        %parallel_loop3A_242 = arith.constant 16 : index
        %parallel_loop3A_243 = tpu.vector_load %arg9[%parallel_loop3A_241, %parallel_loop3A_242] {strides = array<i32>} : memref<400x128xf32, #tpu.memory_space<vmem>>, vector<1x16xf32>,
        %parallel_loop3A_244 = vector.shape_cast %parallel_loop3A_243 : vector<1x16xf32> to vector<16xf32>
        %parallel_loop3A_245 = vector.shape_cast %parallel_loop3A_233 : vector<16xf32> to vector<1x16xf32>
        tpu.vector_store %arg9[%parallel_loop3A_241, %parallel_loop3A_242], %parallel_loop3A_245 {add = true, strides = array<i32>} : memref<400x128xf32, #tpu.memory_space<vmem>>, vector<1x16xf32>,
        %parallel_loop3A_246 = arith.index_cast %parallel_loop3A_213 : i32 to index
        %parallel_loop3A_247 = arith.constant 32 : index
        %parallel_loop3A_248 = tpu.vector_load %arg8[%parallel_loop3A_246, %parallel_loop3A_247] {strides = array<i32>} : memref<200x128xf32, #tpu.memory_space<vmem>>, vector<1x16xf32>,
        %parallel_loop3A_249 = vector.shape_cast %parallel_loop3A_248 : vector<1x16xf32> to vector<16xf32>
        %parallel_loop3A_250 = arith.index_cast %parallel_loop3A_213 : i32 to index
        %parallel_loop3A_251 = arith.constant 32 : index
        %parallel_loop3A_252 = tpu.vector_load %arg9[%parallel_loop3A_250, %parallel_loop3A_251] {strides = array<i32>} : memref<400x128xf32, #tpu.memory_space<vmem>>, vector<1x16xf32>,
        %parallel_loop3A_253 = vector.shape_cast %parallel_loop3A_252 : vector<1x16xf32> to vector<16xf32>
        %parallel_loop3A_254 = vector.shape_cast %parallel_loop3A_249 : vector<16xf32> to vector<1x16xf32>
        tpu.vector_store %arg9[%parallel_loop3A_250, %parallel_loop3A_251], %parallel_loop3A_254 {add = true, strides = array<i32>} : memref<400x128xf32, #tpu.memory_space<vmem>>, vector<1x16xf32>,
        %parallel_loop3A_255 = arith.constant 200 : i32
        %parallel_loop3A_256 = arith.addi %parallel_loop3A_255, %parallel_loop3A_213 : i32
        %parallel_loop3A_257 = arith.index_cast %parallel_loop3A_256 : i32 to index
        %parallel_loop3A_258 = arith.constant 32 : index
        %parallel_loop3A_259 = tpu.vector_load %arg9[%parallel_loop3A_257, %parallel_loop3A_258] {strides = array<i32>} : memref<400x128xf32, #tpu.memory_space<vmem>>, vector<1x16xf32>,
        %parallel_loop3A_260 = vector.shape_cast %parallel_loop3A_259 : vector<1x16xf32> to vector<16xf32>
        %parallel_loop3A_261 = vector.shape_cast %parallel_loop3A_249 : vector<16xf32> to vector<1x16xf32>
        tpu.vector_store %arg9[%parallel_loop3A_257, %parallel_loop3A_258], %parallel_loop3A_261 {add = true, strides = array<i32>} : memref<400x128xf32, #tpu.memory_space<vmem>>, vector<1x16xf32>,
        %parallel_loop3A_262 = arith.index_cast %parallel_loop3A_213 : i32 to index
        %parallel_loop3A_263 = arith.constant 48 : index
        %parallel_loop3A_264 = tpu.vector_load %arg8[%parallel_loop3A_262, %parallel_loop3A_263] {strides = array<i32>} : memref<200x128xf32, #tpu.memory_space<vmem>>, vector<1x16xf32>,
        %parallel_loop3A_265 = vector.shape_cast %parallel_loop3A_264 : vector<1x16xf32> to vector<16xf32>
        %parallel_loop3A_266 = arith.index_cast %parallel_loop3A_213 : i32 to index
        %parallel_loop3A_267 = arith.constant 48 : index
        %parallel_loop3A_268 = tpu.vector_load %arg9[%parallel_loop3A_266, %parallel_loop3A_267] {strides = array<i32>} : memref<400x128xf32, #tpu.memory_space<vmem>>, vector<1x16xf32>,
        %parallel_loop3A_269 = vector.shape_cast %parallel_loop3A_268 : vector<1x16xf32> to vector<16xf32>
        %parallel_loop3A_270 = vector.shape_cast %parallel_loop3A_265 : vector<16xf32> to vector<1x16xf32>
        tpu.vector_store %arg9[%parallel_loop3A_266, %parallel_loop3A_267], %parallel_loop3A_270 {add = true, strides = array<i32>} : memref<400x128xf32, #tpu.memory_space<vmem>>, vector<1x16xf32>,
        %parallel_loop3A_271 = arith.constant 200 : i32
        %parallel_loop3A_272 = arith.addi %parallel_loop3A_271, %parallel_loop3A_213 : i32
        %parallel_loop3A_273 = arith.index_cast %parallel_loop3A_272 : i32 to index
        %parallel_loop3A_274 = arith.constant 48 : index
        %parallel_loop3A_275 = tpu.vector_load %arg9[%parallel_loop3A_273, %parallel_loop3A_274] {strides = array<i32>} : memref<400x128xf32, #tpu.memory_space<vmem>>, vector<1x16xf32>,
        %parallel_loop3A_276 = vector.shape_cast %parallel_loop3A_275 : vector<1x16xf32> to vector<16xf32>
        %parallel_loop3A_277 = vector.shape_cast %parallel_loop3A_265 : vector<16xf32> to vector<1x16xf32>
        tpu.vector_store %arg9[%parallel_loop3A_273, %parallel_loop3A_274], %parallel_loop3A_277 {add = true, strides = array<i32>} : memref<400x128xf32, #tpu.memory_space<vmem>>, vector<1x16xf32>,
        %parallel_loop3A_278 = arith.index_cast %parallel_loop3A_213 : i32 to index
        %parallel_loop3A_279 = arith.constant 64 : index
        %parallel_loop3A_280 = tpu.vector_load %arg8[%parallel_loop3A_278, %parallel_loop3A_279] {strides = array<i32>} : memref<200x128xf32, #tpu.memory_space<vmem>>, vector<1x16xf32>,
        %parallel_loop3A_281 = vector.shape_cast %parallel_loop3A_280 : vector<1x16xf32> to vector<16xf32>
        %parallel_loop3A_282 = arith.index_cast %parallel_loop3A_213 : i32 to index
        %parallel_loop3A_283 = arith.constant 64 : index
        %parallel_loop3A_284 = tpu.vector_load %arg9[%parallel_loop3A_282, %parallel_loop3A_283] {strides = array<i32>} : memref<400x128xf32, #tpu.memory_space<vmem>>, vector<1x16xf32>,
        %parallel_loop3A_285 = vector.shape_cast %parallel_loop3A_284 : vector<1x16xf32> to vector<16xf32>
        %parallel_loop3A_286 = vector.shape_cast %parallel_loop3A_281 : vector<16xf32> to vector<1x16xf32>
        tpu.vector_store %arg9[%parallel_loop3A_282, %parallel_loop3A_283], %parallel_loop3A_286 {add = true, strides = array<i32>} : memref<400x128xf32, #tpu.memory_space<vmem>>, vector<1x16xf32>,
        %parallel_loop3A_287 = arith.constant 200 : i32
        %parallel_loop3A_288 = arith.addi %parallel_loop3A_287, %parallel_loop3A_213 : i32
        %parallel_loop3A_289 = arith.index_cast %parallel_loop3A_288 : i32 to index
        %parallel_loop3A_290 = arith.constant 64 : index
        %parallel_loop3A_291 = tpu.vector_load %arg9[%parallel_loop3A_289, %parallel_loop3A_290] {strides = array<i32>} : memref<400x128xf32, #tpu.memory_space<vmem>>, vector<1x16xf32>,
        %parallel_loop3A_292 = vector.shape_cast %parallel_loop3A_291 : vector<1x16xf32> to vector<16xf32>
        %parallel_loop3A_293 = vector.shape_cast %parallel_loop3A_281 : vector<16xf32> to vector<1x16xf32>
        tpu.vector_store %arg9[%parallel_loop3A_289, %parallel_loop3A_290], %parallel_loop3A_293 {add = true, strides = array<i32>} : memref<400x128xf32, #tpu.memory_space<vmem>>, vector<1x16xf32>,
        %parallel_loop3A_294 = arith.index_cast %parallel_loop3A_213 : i32 to index
        %parallel_loop3A_295 = arith.constant 80 : index
        %parallel_loop3A_296 = tpu.vector_load %arg8[%parallel_loop3A_294, %parallel_loop3A_295] {strides = array<i32>} : memref<200x128xf32, #tpu.memory_space<vmem>>, vector<1x16xf32>,
        %parallel_loop3A_297 = vector.shape_cast %parallel_loop3A_296 : vector<1x16xf32> to vector<16xf32>
        %parallel_loop3A_298 = arith.index_cast %parallel_loop3A_213 : i32 to index
        %parallel_loop3A_299 = arith.constant 80 : index
        %parallel_loop3A_300 = tpu.vector_load %arg9[%parallel_loop3A_298, %parallel_loop3A_299] {strides = array<i32>} : memref<400x128xf32, #tpu.memory_space<vmem>>, vector<1x16xf32>,
        %parallel_loop3A_301 = vector.shape_cast %parallel_loop3A_300 : vector<1x16xf32> to vector<16xf32>
        %parallel_loop3A_302 = vector.shape_cast %parallel_loop3A_297 : vector<16xf32> to vector<1x16xf32>
        tpu.vector_store %arg9[%parallel_loop3A_298, %parallel_loop3A_299], %parallel_loop3A_302 {add = true, strides = array<i32>} : memref<400x128xf32, #tpu.memory_space<vmem>>, vector<1x16xf32>,
        %parallel_loop3A_303 = arith.constant 200 : i32
        %parallel_loop3A_304 = arith.addi %parallel_loop3A_303, %parallel_loop3A_213 : i32
        %parallel_loop3A_305 = arith.index_cast %parallel_loop3A_304 : i32 to index
        %parallel_loop3A_306 = arith.constant 80 : index
        %parallel_loop3A_307 = tpu.vector_load %arg9[%parallel_loop3A_305, %parallel_loop3A_306] {strides = array<i32>} : memref<400x128xf32, #tpu.memory_space<vmem>>, vector<1x16xf32>,
        %parallel_loop3A_308 = vector.shape_cast %parallel_loop3A_307 : vector<1x16xf32> to vector<16xf32>
        %parallel_loop3A_309 = vector.shape_cast %parallel_loop3A_297 : vector<16xf32> to vector<1x16xf32>
        tpu.vector_store %arg9[%parallel_loop3A_305, %parallel_loop3A_306], %parallel_loop3A_309 {add = true, strides = array<i32>} : memref<400x128xf32, #tpu.memory_space<vmem>>, vector<1x16xf32>,
        %parallel_loop3A_310 = arith.index_cast %parallel_loop3A_213 : i32 to index
        %parallel_loop3A_311 = arith.constant 96 : index
        %parallel_loop3A_312 = tpu.vector_load %arg8[%parallel_loop3A_310, %parallel_loop3A_311] {strides = array<i32>} : memref<200x128xf32, #tpu.memory_space<vmem>>, vector<1x16xf32>,
        %parallel_loop3A_313 = vector.shape_cast %parallel_loop3A_312 : vector<1x16xf32> to vector<16xf32>
        %parallel_loop3A_314 = arith.index_cast %parallel_loop3A_213 : i32 to index
        %parallel_loop3A_315 = arith.constant 96 : index
        %parallel_loop3A_316 = tpu.vector_load %arg9[%parallel_loop3A_314, %parallel_loop3A_315] {strides = array<i32>} : memref<400x128xf32, #tpu.memory_space<vmem>>, vector<1x16xf32>,
        %parallel_loop3A_317 = vector.shape_cast %parallel_loop3A_316 : vector<1x16xf32> to vector<16xf32>
        %parallel_loop3A_318 = vector.shape_cast %parallel_loop3A_313 : vector<16xf32> to vector<1x16xf32>
        tpu.vector_store %arg9[%parallel_loop3A_314, %parallel_loop3A_315], %parallel_loop3A_318 {add = true, strides = array<i32>} : memref<400x128xf32, #tpu.memory_space<vmem>>, vector<1x16xf32>,
        %parallel_loop3A_319 = arith.constant 200 : i32
        %parallel_loop3A_320 = arith.addi %parallel_loop3A_319, %parallel_loop3A_213 : i32
        %parallel_loop3A_321 = arith.index_cast %parallel_loop3A_320 : i32 to index
        %parallel_loop3A_322 = arith.constant 96 : index
        %parallel_loop3A_323 = tpu.vector_load %arg9[%parallel_loop3A_321, %parallel_loop3A_322] {strides = array<i32>} : memref<400x128xf32, #tpu.memory_space<vmem>>, vector<1x16xf32>,
        %parallel_loop3A_324 = vector.shape_cast %parallel_loop3A_323 : vector<1x16xf32> to vector<16xf32>
        %parallel_loop3A_325 = vector.shape_cast %parallel_loop3A_313 : vector<16xf32> to vector<1x16xf32>
        tpu.vector_store %arg9[%parallel_loop3A_321, %parallel_loop3A_322], %parallel_loop3A_325 {add = true, strides = array<i32>} : memref<400x128xf32, #tpu.memory_space<vmem>>, vector<1x16xf32>,
        %parallel_loop3A_326 = arith.index_cast %parallel_loop3A_213 : i32 to index
        %parallel_loop3A_327 = arith.constant 112 : index
        %parallel_loop3A_328 = tpu.vector_load %arg8[%parallel_loop3A_326, %parallel_loop3A_327] {strides = array<i32>} : memref<200x128xf32, #tpu.memory_space<vmem>>, vector<1x16xf32>,
        %parallel_loop3A_329 = vector.shape_cast %parallel_loop3A_328 : vector<1x16xf32> to vector<16xf32>
        %parallel_loop3A_330 = arith.index_cast %parallel_loop3A_213 : i32 to index
        %parallel_loop3A_331 = arith.constant 112 : index
        %parallel_loop3A_332 = tpu.vector_load %arg9[%parallel_loop3A_330, %parallel_loop3A_331] {strides = array<i32>} : memref<400x128xf32, #tpu.memory_space<vmem>>, vector<1x16xf32>,
        %parallel_loop3A_333 = vector.shape_cast %parallel_loop3A_332 : vector<1x16xf32> to vector<16xf32>
        %parallel_loop3A_334 = vector.shape_cast %parallel_loop3A_329 : vector<16xf32> to vector<1x16xf32>
        tpu.vector_store %arg9[%parallel_loop3A_330, %parallel_loop3A_331], %parallel_loop3A_334 {add = true, strides = array<i32>} : memref<400x128xf32, #tpu.memory_space<vmem>>, vector<1x16xf32>,
        %parallel_loop3A_335 = arith.constant 200 : i32
        %parallel_loop3A_336 = arith.addi %parallel_loop3A_335, %parallel_loop3A_213 : i32
        %parallel_loop3A_337 = arith.index_cast %parallel_loop3A_336 : i32 to index
        %parallel_loop3A_338 = arith.constant 112 : index
        %parallel_loop3A_339 = tpu.vector_load %arg9[%parallel_loop3A_337, %parallel_loop3A_338] {strides = array<i32>} : memref<400x128xf32, #tpu.memory_space<vmem>>, vector<1x16xf32>,
        %parallel_loop3A_340 = vector.shape_cast %parallel_loop3A_339 : vector<1x16xf32> to vector<16xf32>
        %parallel_loop3A_341 = vector.shape_cast %parallel_loop3A_329 : vector<16xf32> to vector<1x16xf32>
        tpu.vector_store %arg9[%parallel_loop3A_337, %parallel_loop3A_338], %parallel_loop3A_341 {add = true, strides = array<i32>} : memref<400x128xf32, #tpu.memory_space<vmem>>, vector<1x16xf32>,
      } {sc.loop_unroll_factor = 2 : i64, sc.parallel_access}
      %mul3A_155 = arith.constant 400 : i32
      %mul3A_156 = arith.muli %add3A_73, %mul3A_155 : i32
      %add3A_157 = arith.addi %mul3A_2, %mul3A_156 : i32
      %dma_start3A_158 = arith.constant 0 : i32
      %dma_start3A_159 = tpu.memref_slice %arg5[%add3A_157, %dma_start3A_158] : memref<204800x128xf32, #tpu.memory_space<hbm>> -> memref<400x128xf32, #tpu.memory_space<hbm>>
      %dma_start3A_160 = arith.constant 0 : i32
      %dma_start3A_161 = tpu.memref_slice %arg5[%add3A_157, %dma_start3A_160] : memref<204800x128xf32, #tpu.memory_space<hbm>> -> memref<400x128xf32, #tpu.memory_space<hbm>>
      tpu.enqueue_dma source(%arg9 : memref<400x128xf32, #tpu.memory_space<vmem>>) target(%dma_start3A_161 : memref<400x128xf32, #tpu.memory_space<hbm>>) target_semaphore(%arg18 : memref<!tpu.dma_semaphore, #tpu.memory_space<semaphore_mem>>)
      %mul3A_162 = arith.constant 2 : i32
      %mul3A_163 = arith.muli %mul3A_162, %add3A_69 : i32
      %add3A_164 = arith.constant 1 : i32
      %add3A_165 = arith.addi %mul3A_163, %add3A_164 : i32
      %lt3A_166 = arith.constant 7 : i32
      %lt3A_167 = arith.cmpi slt, %add3A_69, %lt3A_166 : i32
      %convert_element_type3A_168 = arith.extui %lt3A_167 : i1 to i32
      %cond3A_169 = arith.constant 0 : i32
      %cond3A_170 = arith.cmpi ne, %convert_element_type3A_168, %cond3A_169 : i32
      scf.if %cond3A_170 {
        %dma_wait3A_213 = arith.constant 0 : i32
        %dma_wait3A_214 = arith.constant 0 : i32
        %dma_wait3A_215 = tpu.memref_slice %arg5[%dma_wait3A_213, %dma_wait3A_214] : memref<204800x128xf32, #tpu.memory_space<hbm>> -> memref<400x128xf32, #tpu.memory_space<hbm>>
        %dma_wait3A_216 = arith.constant 0 : i32
        %dma_wait3A_217 = arith.constant 0 : i32
        %dma_wait3A_218 = tpu.memref_slice %arg5[%dma_wait3A_216, %dma_wait3A_217] : memref<204800x128xf32, #tpu.memory_space<hbm>> -> memref<400x128xf32, #tpu.memory_space<hbm>>
        tpu.wait_dma2 semaphore(%arg18 : memref<!tpu.dma_semaphore, #tpu.memory_space<semaphore_mem>>) src(%arg9 : memref<400x128xf32, #tpu.memory_space<vmem>>) dst(%dma_wait3A_218 : memref<400x128xf32, #tpu.memory_space<hbm>>)
        %dma_wait3A_219 = arith.constant 0 : i32
        %dma_wait3A_220 = arith.constant 0 : i32
        %dma_wait3A_221 = tpu.memref_slice %arg2[%dma_wait3A_219, %dma_wait3A_220] : memref<2048x100xi32, #tpu.memory_space<hbm>> -> memref<4x100xi32, #tpu.memory_space<hbm>>
        %dma_wait3A_222 = arith.constant 0 : i32
        %dma_wait3A_223 = arith.constant 0 : i32
        %dma_wait3A_224 = tpu.memref_slice %arg2[%dma_wait3A_222, %dma_wait3A_223] : memref<2048x100xi32, #tpu.memory_space<hbm>> -> memref<4x100xi32, #tpu.memory_space<hbm>>
        tpu.wait_dma2 semaphore(%arg12 : memref<!tpu.dma_semaphore, #tpu.memory_space<semaphore_mem>>) src(%dma_wait3A_224 : memref<4x100xi32, #tpu.memory_space<hbm>>) dst(%arg6 : memref<4x100xi32, #tpu.memory_space<vmem>>)
        %dma_start3A_225 = arith.constant 0 : i32
        %dma_start3A_226 = arith.constant 0 : i32
        %dma_start3A_227 = arith.constant 0 : i32
        %dma_start3A_228 = tpu.memref_slice %arg9[%dma_start3A_226, %dma_start3A_227] : memref<400x128xf32, #tpu.memory_space<vmem>> -> memref<100x128xf32, #tpu.memory_space<vmem>>
        %dma_start3A_229 = arith.constant 0 : i32
        %dma_start3A_230 = tpu.memref_slice %arg6[%dma_start3A_225, %dma_start3A_229] : memref<4x100xi32, #tpu.memory_space<vmem>> -> memref<1x100xi32, #tpu.memory_space<vmem>>
        %dma_start3A_231 = tpu.memref_squeeze %dma_start3A_230 : memref<1x100xi32, #tpu.memory_space<vmem>> -> memref<100xi32, #tpu.memory_space<vmem>>
        %dma_start3A_232 = arith.constant 0 : i32
        %dma_start3A_233 = arith.constant 0 : i32
        %dma_start3A_234 = tpu.memref_slice %arg3[%dma_start3A_232, %dma_start3A_233] : memref<100000x128xf32, #tpu.memory_space<hbm>> -> memref<100000x128xf32, #tpu.memory_space<hbm>>
        tpu.enqueue_indirect_dma source(%dma_start3A_234 : memref<100000x128xf32, #tpu.memory_space<hbm>>) target(%dma_start3A_228 : memref<100x128xf32, #tpu.memory_space<vmem>>) offsets(%dma_start3A_231 : memref<100xi32, #tpu.memory_space<vmem>>) semaphore(%arg14 : memref<!tpu.dma_semaphore, #tpu.memory_space<semaphore_mem>>)
        %dma_start3A_235 = arith.constant 2 : i32
        %dma_start3A_236 = arith.constant 200 : i32
        %dma_start3A_237 = arith.constant 0 : i32
        %dma_start3A_238 = tpu.memref_slice %arg9[%dma_start3A_236, %dma_start3A_237] : memref<400x128xf32, #tpu.memory_space<vmem>> -> memref<100x128xf32, #tpu.memory_space<vmem>>
        %dma_start3A_239 = arith.constant 0 : i32
        %dma_start3A_240 = tpu.memref_slice %arg6[%dma_start3A_235, %dma_start3A_239] : memref<4x100xi32, #tpu.memory_space<vmem>> -> memref<1x100xi32, #tpu.memory_space<vmem>>
        %dma_start3A_241 = tpu.memref_squeeze %dma_start3A_240 : memref<1x100xi32, #tpu.memory_space<vmem>> -> memref<100xi32, #tpu.memory_space<vmem>>
        %dma_start3A_242 = arith.constant 0 : i32
        %dma_start3A_243 = arith.constant 0 : i32
        %dma_start3A_244 = tpu.memref_slice %arg3[%dma_start3A_242, %dma_start3A_243] : memref<100000x128xf32, #tpu.memory_space<hbm>> -> memref<100000x128xf32, #tpu.memory_space<hbm>>
        tpu.enqueue_indirect_dma source(%dma_start3A_244 : memref<100000x128xf32, #tpu.memory_space<hbm>>) target(%dma_start3A_238 : memref<100x128xf32, #tpu.memory_space<vmem>>) offsets(%dma_start3A_241 : memref<100xi32, #tpu.memory_space<vmem>>) semaphore(%arg14 : memref<!tpu.dma_semaphore, #tpu.memory_space<semaphore_mem>>)
        %dma_start3A_245 = arith.constant 1 : i32
        %dma_start3A_246 = arith.constant 100 : i32
        %dma_start3A_247 = arith.constant 0 : i32
        %dma_start3A_248 = tpu.memref_slice %arg9[%dma_start3A_246, %dma_start3A_247] : memref<400x128xf32, #tpu.memory_space<vmem>> -> memref<100x128xf32, #tpu.memory_space<vmem>>
        %dma_start3A_249 = arith.constant 0 : i32
        %dma_start3A_250 = tpu.memref_slice %arg6[%dma_start3A_245, %dma_start3A_249] : memref<4x100xi32, #tpu.memory_space<vmem>> -> memref<1x100xi32, #tpu.memory_space<vmem>>
        %dma_start3A_251 = tpu.memref_squeeze %dma_start3A_250 : memref<1x100xi32, #tpu.memory_space<vmem>> -> memref<100xi32, #tpu.memory_space<vmem>>
        %dma_start3A_252 = arith.constant 0 : i32
        %dma_start3A_253 = arith.constant 0 : i32
        %dma_start3A_254 = tpu.memref_slice %arg3[%dma_start3A_252, %dma_start3A_253] : memref<100000x128xf32, #tpu.memory_space<hbm>> -> memref<100000x128xf32, #tpu.memory_space<hbm>>
        tpu.enqueue_indirect_dma source(%dma_start3A_254 : memref<100000x128xf32, #tpu.memory_space<hbm>>) target(%dma_start3A_248 : memref<100x128xf32, #tpu.memory_space<vmem>>) offsets(%dma_start3A_251 : memref<100xi32, #tpu.memory_space<vmem>>) semaphore(%arg16 : memref<!tpu.dma_semaphore, #tpu.memory_space<semaphore_mem>>)
        %dma_start3A_255 = arith.constant 3 : i32
        %dma_start3A_256 = arith.constant 300 : i32
        %dma_start3A_257 = arith.constant 0 : i32
        %dma_start3A_258 = tpu.memref_slice %arg9[%dma_start3A_256, %dma_start3A_257] : memref<400x128xf32, #tpu.memory_space<vmem>> -> memref<100x128xf32, #tpu.memory_space<vmem>>
        %dma_start3A_259 = arith.constant 0 : i32
        %dma_start3A_260 = tpu.memref_slice %arg6[%dma_start3A_255, %dma_start3A_259] : memref<4x100xi32, #tpu.memory_space<vmem>> -> memref<1x100xi32, #tpu.memory_space<vmem>>
        %dma_start3A_261 = tpu.memref_squeeze %dma_start3A_260 : memref<1x100xi32, #tpu.memory_space<vmem>> -> memref<100xi32, #tpu.memory_space<vmem>>
        %dma_start3A_262 = arith.constant 0 : i32
        %dma_start3A_263 = arith.constant 0 : i32
        %dma_start3A_264 = tpu.memref_slice %arg3[%dma_start3A_262, %dma_start3A_263] : memref<100000x128xf32, #tpu.memory_space<hbm>> -> memref<100000x128xf32, #tpu.memory_space<hbm>>
        tpu.enqueue_indirect_dma source(%dma_start3A_264 : memref<100000x128xf32, #tpu.memory_space<hbm>>) target(%dma_start3A_258 : memref<100x128xf32, #tpu.memory_space<vmem>>) offsets(%dma_start3A_261 : memref<100xi32, #tpu.memory_space<vmem>>) semaphore(%arg16 : memref<!tpu.dma_semaphore, #tpu.memory_space<semaphore_mem>>)
      } else {
      }
      %dma_wait3A_171 = arith.constant 0 : i32
      %dma_wait3A_172 = arith.constant 0 : i32
      %dma_wait3A_173 = tpu.memref_slice %arg10[%dma_wait3A_171, %dma_wait3A_172] : memref<400x128xf32, #tpu.memory_space<vmem>> -> memref<200x128xf32, #tpu.memory_space<vmem>>
      %dma_wait3A_174 = arith.constant 0 : i32
      %dma_wait3A_175 = arith.constant 0 : i32
      %dma_wait3A_176 = tpu.memref_slice %arg3[%dma_wait3A_174, %dma_wait3A_175] : memref<100000x128xf32, #tpu.memory_space<hbm>> -> memref<200x128xf32, #tpu.memory_space<hbm>>
      %dma_wait3A_177 = arith.constant 0 : i32
      %dma_wait3A_178 = arith.constant 0 : i32
      %dma_wait3A_179 = tpu.memref_slice %arg10[%dma_wait3A_177, %dma_wait3A_178] : memref<400x128xf32, #tpu.memory_space<vmem>> -> memref<200x128xf32, #tpu.memory_space<vmem>>
      %dma_wait3A_180 = arith.constant 0 : i32
      %dma_wait3A_181 = arith.constant 0 : i32
      %dma_wait3A_182 = tpu.memref_slice %arg3[%dma_wait3A_180, %dma_wait3A_181] : memref<100000x128xf32, #tpu.memory_space<hbm>> -> memref<200x128xf32, #tpu.memory_space<hbm>>
      tpu.wait_dma2 semaphore(%arg15 : memref<!tpu.dma_semaphore, #tpu.memory_space<semaphore_mem>>) src(%dma_wait3A_182 : memref<200x128xf32, #tpu.memory_space<hbm>>) dst(%dma_wait3A_179 : memref<200x128xf32, #tpu.memory_space<vmem>>)
      %parallel_loop3A_183 = arith.constant 0 : i32
      %parallel_loop3A_184 = arith.constant 100 : i32
      %parallel_loop3A_185 = arith.constant 1 : i32
      scf.for %parallel_loop3A_213 = %parallel_loop3A_183 to %parallel_loop3A_184 step %parallel_loop3A_185  : i32 {
        %parallel_loop3A_214 = arith.index_cast %parallel_loop3A_213 : i32 to index
        %parallel_loop3A_215 = arith.constant 0 : index
        %parallel_loop3A_216 = tpu.vector_load %arg8[%parallel_loop3A_214, %parallel_loop3A_215] {strides = array<i32>} : memref<200x128xf32, #tpu.memory_space<vmem>>, vector<1x16xf32>,
        %parallel_loop3A_217 = vector.shape_cast %parallel_loop3A_216 : vector<1x16xf32> to vector<16xf32>
        %parallel_loop3A_218 = arith.index_cast %parallel_loop3A_213 : i32 to index
        %parallel_loop3A_219 = arith.constant 0 : index
        %parallel_loop3A_220 = tpu.vector_load %arg10[%parallel_loop3A_218, %parallel_loop3A_219] {strides = array<i32>} : memref<400x128xf32, #tpu.memory_space<vmem>>, vector<1x16xf32>,
        %parallel_loop3A_221 = vector.shape_cast %parallel_loop3A_220 : vector<1x16xf32> to vector<16xf32>
        %parallel_loop3A_222 = vector.shape_cast %parallel_loop3A_217 : vector<16xf32> to vector<1x16xf32>
        tpu.vector_store %arg10[%parallel_loop3A_218, %parallel_loop3A_219], %parallel_loop3A_222 {add = true, strides = array<i32>} : memref<400x128xf32, #tpu.memory_space<vmem>>, vector<1x16xf32>,
        %parallel_loop3A_223 = arith.constant 200 : i32
        %parallel_loop3A_224 = arith.addi %parallel_loop3A_223, %parallel_loop3A_213 : i32
        %parallel_loop3A_225 = arith.index_cast %parallel_loop3A_224 : i32 to index
        %parallel_loop3A_226 = arith.constant 0 : index
        %parallel_loop3A_227 = tpu.vector_load %arg10[%parallel_loop3A_225, %parallel_loop3A_226] {strides = array<i32>} : memref<400x128xf32, #tpu.memory_space<vmem>>, vector<1x16xf32>,
        %parallel_loop3A_228 = vector.shape_cast %parallel_loop3A_227 : vector<1x16xf32> to vector<16xf32>
        %parallel_loop3A_229 = vector.shape_cast %parallel_loop3A_217 : vector<16xf32> to vector<1x16xf32>
        tpu.vector_store %arg10[%parallel_loop3A_225, %parallel_loop3A_226], %parallel_loop3A_229 {add = true, strides = array<i32>} : memref<400x128xf32, #tpu.memory_space<vmem>>, vector<1x16xf32>,
        %parallel_loop3A_230 = arith.index_cast %parallel_loop3A_213 : i32 to index
        %parallel_loop3A_231 = arith.constant 16 : index
        %parallel_loop3A_232 = tpu.vector_load %arg8[%parallel_loop3A_230, %parallel_loop3A_231] {strides = array<i32>} : memref<200x128xf32, #tpu.memory_space<vmem>>, vector<1x16xf32>,
        %parallel_loop3A_233 = vector.shape_cast %parallel_loop3A_232 : vector<1x16xf32> to vector<16xf32>
        %parallel_loop3A_234 = arith.index_cast %parallel_loop3A_213 : i32 to index
        %parallel_loop3A_235 = arith.constant 16 : index
        %parallel_loop3A_236 = tpu.vector_load %arg10[%parallel_loop3A_234, %parallel_loop3A_235] {strides = array<i32>} : memref<400x128xf32, #tpu.memory_space<vmem>>, vector<1x16xf32>,
        %parallel_loop3A_237 = vector.shape_cast %parallel_loop3A_236 : vector<1x16xf32> to vector<16xf32>
        %parallel_loop3A_238 = vector.shape_cast %parallel_loop3A_233 : vector<16xf32> to vector<1x16xf32>
        tpu.vector_store %arg10[%parallel_loop3A_234, %parallel_loop3A_235], %parallel_loop3A_238 {add = true, strides = array<i32>} : memref<400x128xf32, #tpu.memory_space<vmem>>, vector<1x16xf32>,
        %parallel_loop3A_239 = arith.constant 200 : i32
        %parallel_loop3A_240 = arith.addi %parallel_loop3A_239, %parallel_loop3A_213 : i32
        %parallel_loop3A_241 = arith.index_cast %parallel_loop3A_240 : i32 to index
        %parallel_loop3A_242 = arith.constant 16 : index
        %parallel_loop3A_243 = tpu.vector_load %arg10[%parallel_loop3A_241, %parallel_loop3A_242] {strides = array<i32>} : memref<400x128xf32, #tpu.memory_space<vmem>>, vector<1x16xf32>,
        %parallel_loop3A_244 = vector.shape_cast %parallel_loop3A_243 : vector<1x16xf32> to vector<16xf32>
        %parallel_loop3A_245 = vector.shape_cast %parallel_loop3A_233 : vector<16xf32> to vector<1x16xf32>
        tpu.vector_store %arg10[%parallel_loop3A_241, %parallel_loop3A_242], %parallel_loop3A_245 {add = true, strides = array<i32>} : memref<400x128xf32, #tpu.memory_space<vmem>>, vector<1x16xf32>,
        %parallel_loop3A_246 = arith.index_cast %parallel_loop3A_213 : i32 to index
        %parallel_loop3A_247 = arith.constant 32 : index
        %parallel_loop3A_248 = tpu.vector_load %arg8[%parallel_loop3A_246, %parallel_loop3A_247] {strides = array<i32>} : memref<200x128xf32, #tpu.memory_space<vmem>>, vector<1x16xf32>,
        %parallel_loop3A_249 = vector.shape_cast %parallel_loop3A_248 : vector<1x16xf32> to vector<16xf32>
        %parallel_loop3A_250 = arith.index_cast %parallel_loop3A_213 : i32 to index
        %parallel_loop3A_251 = arith.constant 32 : index
        %parallel_loop3A_252 = tpu.vector_load %arg10[%parallel_loop3A_250, %parallel_loop3A_251] {strides = array<i32>} : memref<400x128xf32, #tpu.memory_space<vmem>>, vector<1x16xf32>,
        %parallel_loop3A_253 = vector.shape_cast %parallel_loop3A_252 : vector<1x16xf32> to vector<16xf32>
        %parallel_loop3A_254 = vector.shape_cast %parallel_loop3A_249 : vector<16xf32> to vector<1x16xf32>
        tpu.vector_store %arg10[%parallel_loop3A_250, %parallel_loop3A_251], %parallel_loop3A_254 {add = true, strides = array<i32>} : memref<400x128xf32, #tpu.memory_space<vmem>>, vector<1x16xf32>,
        %parallel_loop3A_255 = arith.constant 200 : i32
        %parallel_loop3A_256 = arith.addi %parallel_loop3A_255, %parallel_loop3A_213 : i32
        %parallel_loop3A_257 = arith.index_cast %parallel_loop3A_256 : i32 to index
        %parallel_loop3A_258 = arith.constant 32 : index
        %parallel_loop3A_259 = tpu.vector_load %arg10[%parallel_loop3A_257, %parallel_loop3A_258] {strides = array<i32>} : memref<400x128xf32, #tpu.memory_space<vmem>>, vector<1x16xf32>,
        %parallel_loop3A_260 = vector.shape_cast %parallel_loop3A_259 : vector<1x16xf32> to vector<16xf32>
        %parallel_loop3A_261 = vector.shape_cast %parallel_loop3A_249 : vector<16xf32> to vector<1x16xf32>
        tpu.vector_store %arg10[%parallel_loop3A_257, %parallel_loop3A_258], %parallel_loop3A_261 {add = true, strides = array<i32>} : memref<400x128xf32, #tpu.memory_space<vmem>>, vector<1x16xf32>,
        %parallel_loop3A_262 = arith.index_cast %parallel_loop3A_213 : i32 to index
        %parallel_loop3A_263 = arith.constant 48 : index
        %parallel_loop3A_264 = tpu.vector_load %arg8[%parallel_loop3A_262, %parallel_loop3A_263] {strides = array<i32>} : memref<200x128xf32, #tpu.memory_space<vmem>>, vector<1x16xf32>,
        %parallel_loop3A_265 = vector.shape_cast %parallel_loop3A_264 : vector<1x16xf32> to vector<16xf32>
        %parallel_loop3A_266 = arith.index_cast %parallel_loop3A_213 : i32 to index
        %parallel_loop3A_267 = arith.constant 48 : index
        %parallel_loop3A_268 = tpu.vector_load %arg10[%parallel_loop3A_266, %parallel_loop3A_267] {strides = array<i32>} : memref<400x128xf32, #tpu.memory_space<vmem>>, vector<1x16xf32>,
        %parallel_loop3A_269 = vector.shape_cast %parallel_loop3A_268 : vector<1x16xf32> to vector<16xf32>
        %parallel_loop3A_270 = vector.shape_cast %parallel_loop3A_265 : vector<16xf32> to vector<1x16xf32>
        tpu.vector_store %arg10[%parallel_loop3A_266, %parallel_loop3A_267], %parallel_loop3A_270 {add = true, strides = array<i32>} : memref<400x128xf32, #tpu.memory_space<vmem>>, vector<1x16xf32>,
        %parallel_loop3A_271 = arith.constant 200 : i32
        %parallel_loop3A_272 = arith.addi %parallel_loop3A_271, %parallel_loop3A_213 : i32
        %parallel_loop3A_273 = arith.index_cast %parallel_loop3A_272 : i32 to index
        %parallel_loop3A_274 = arith.constant 48 : index
        %parallel_loop3A_275 = tpu.vector_load %arg10[%parallel_loop3A_273, %parallel_loop3A_274] {strides = array<i32>} : memref<400x128xf32, #tpu.memory_space<vmem>>, vector<1x16xf32>,
        %parallel_loop3A_276 = vector.shape_cast %parallel_loop3A_275 : vector<1x16xf32> to vector<16xf32>
        %parallel_loop3A_277 = vector.shape_cast %parallel_loop3A_265 : vector<16xf32> to vector<1x16xf32>
        tpu.vector_store %arg10[%parallel_loop3A_273, %parallel_loop3A_274], %parallel_loop3A_277 {add = true, strides = array<i32>} : memref<400x128xf32, #tpu.memory_space<vmem>>, vector<1x16xf32>,
        %parallel_loop3A_278 = arith.index_cast %parallel_loop3A_213 : i32 to index
        %parallel_loop3A_279 = arith.constant 64 : index
        %parallel_loop3A_280 = tpu.vector_load %arg8[%parallel_loop3A_278, %parallel_loop3A_279] {strides = array<i32>} : memref<200x128xf32, #tpu.memory_space<vmem>>, vector<1x16xf32>,
        %parallel_loop3A_281 = vector.shape_cast %parallel_loop3A_280 : vector<1x16xf32> to vector<16xf32>
        %parallel_loop3A_282 = arith.index_cast %parallel_loop3A_213 : i32 to index
        %parallel_loop3A_283 = arith.constant 64 : index
        %parallel_loop3A_284 = tpu.vector_load %arg10[%parallel_loop3A_282, %parallel_loop3A_283] {strides = array<i32>} : memref<400x128xf32, #tpu.memory_space<vmem>>, vector<1x16xf32>,
        %parallel_loop3A_285 = vector.shape_cast %parallel_loop3A_284 : vector<1x16xf32> to vector<16xf32>
        %parallel_loop3A_286 = vector.shape_cast %parallel_loop3A_281 : vector<16xf32> to vector<1x16xf32>
        tpu.vector_store %arg10[%parallel_loop3A_282, %parallel_loop3A_283], %parallel_loop3A_286 {add = true, strides = array<i32>} : memref<400x128xf32, #tpu.memory_space<vmem>>, vector<1x16xf32>,
        %parallel_loop3A_287 = arith.constant 200 : i32
        %parallel_loop3A_288 = arith.addi %parallel_loop3A_287, %parallel_loop3A_213 : i32
        %parallel_loop3A_289 = arith.index_cast %parallel_loop3A_288 : i32 to index
        %parallel_loop3A_290 = arith.constant 64 : index
        %parallel_loop3A_291 = tpu.vector_load %arg10[%parallel_loop3A_289, %parallel_loop3A_290] {strides = array<i32>} : memref<400x128xf32, #tpu.memory_space<vmem>>, vector<1x16xf32>,
        %parallel_loop3A_292 = vector.shape_cast %parallel_loop3A_291 : vector<1x16xf32> to vector<16xf32>
        %parallel_loop3A_293 = vector.shape_cast %parallel_loop3A_281 : vector<16xf32> to vector<1x16xf32>
        tpu.vector_store %arg10[%parallel_loop3A_289, %parallel_loop3A_290], %parallel_loop3A_293 {add = true, strides = array<i32>} : memref<400x128xf32, #tpu.memory_space<vmem>>, vector<1x16xf32>,
        %parallel_loop3A_294 = arith.index_cast %parallel_loop3A_213 : i32 to index
        %parallel_loop3A_295 = arith.constant 80 : index
        %parallel_loop3A_296 = tpu.vector_load %arg8[%parallel_loop3A_294, %parallel_loop3A_295] {strides = array<i32>} : memref<200x128xf32, #tpu.memory_space<vmem>>, vector<1x16xf32>,
        %parallel_loop3A_297 = vector.shape_cast %parallel_loop3A_296 : vector<1x16xf32> to vector<16xf32>
        %parallel_loop3A_298 = arith.index_cast %parallel_loop3A_213 : i32 to index
        %parallel_loop3A_299 = arith.constant 80 : index
        %parallel_loop3A_300 = tpu.vector_load %arg10[%parallel_loop3A_298, %parallel_loop3A_299] {strides = array<i32>} : memref<400x128xf32, #tpu.memory_space<vmem>>, vector<1x16xf32>,
        %parallel_loop3A_301 = vector.shape_cast %parallel_loop3A_300 : vector<1x16xf32> to vector<16xf32>
        %parallel_loop3A_302 = vector.shape_cast %parallel_loop3A_297 : vector<16xf32> to vector<1x16xf32>
        tpu.vector_store %arg10[%parallel_loop3A_298, %parallel_loop3A_299], %parallel_loop3A_302 {add = true, strides = array<i32>} : memref<400x128xf32, #tpu.memory_space<vmem>>, vector<1x16xf32>,
        %parallel_loop3A_303 = arith.constant 200 : i32
        %parallel_loop3A_304 = arith.addi %parallel_loop3A_303, %parallel_loop3A_213 : i32
        %parallel_loop3A_305 = arith.index_cast %parallel_loop3A_304 : i32 to index
        %parallel_loop3A_306 = arith.constant 80 : index
        %parallel_loop3A_307 = tpu.vector_load %arg10[%parallel_loop3A_305, %parallel_loop3A_306] {strides = array<i32>} : memref<400x128xf32, #tpu.memory_space<vmem>>, vector<1x16xf32>,
        %parallel_loop3A_308 = vector.shape_cast %parallel_loop3A_307 : vector<1x16xf32> to vector<16xf32>
        %parallel_loop3A_309 = vector.shape_cast %parallel_loop3A_297 : vector<16xf32> to vector<1x16xf32>
        tpu.vector_store %arg10[%parallel_loop3A_305, %parallel_loop3A_306], %parallel_loop3A_309 {add = true, strides = array<i32>} : memref<400x128xf32, #tpu.memory_space<vmem>>, vector<1x16xf32>,
        %parallel_loop3A_310 = arith.index_cast %parallel_loop3A_213 : i32 to index
        %parallel_loop3A_311 = arith.constant 96 : index
        %parallel_loop3A_312 = tpu.vector_load %arg8[%parallel_loop3A_310, %parallel_loop3A_311] {strides = array<i32>} : memref<200x128xf32, #tpu.memory_space<vmem>>, vector<1x16xf32>,
        %parallel_loop3A_313 = vector.shape_cast %parallel_loop3A_312 : vector<1x16xf32> to vector<16xf32>
        %parallel_loop3A_314 = arith.index_cast %parallel_loop3A_213 : i32 to index
        %parallel_loop3A_315 = arith.constant 96 : index
        %parallel_loop3A_316 = tpu.vector_load %arg10[%parallel_loop3A_314, %parallel_loop3A_315] {strides = array<i32>} : memref<400x128xf32, #tpu.memory_space<vmem>>, vector<1x16xf32>,
        %parallel_loop3A_317 = vector.shape_cast %parallel_loop3A_316 : vector<1x16xf32> to vector<16xf32>
        %parallel_loop3A_318 = vector.shape_cast %parallel_loop3A_313 : vector<16xf32> to vector<1x16xf32>
        tpu.vector_store %arg10[%parallel_loop3A_314, %parallel_loop3A_315], %parallel_loop3A_318 {add = true, strides = array<i32>} : memref<400x128xf32, #tpu.memory_space<vmem>>, vector<1x16xf32>,
        %parallel_loop3A_319 = arith.constant 200 : i32
        %parallel_loop3A_320 = arith.addi %parallel_loop3A_319, %parallel_loop3A_213 : i32
        %parallel_loop3A_321 = arith.index_cast %parallel_loop3A_320 : i32 to index
        %parallel_loop3A_322 = arith.constant 96 : index
        %parallel_loop3A_323 = tpu.vector_load %arg10[%parallel_loop3A_321, %parallel_loop3A_322] {strides = array<i32>} : memref<400x128xf32, #tpu.memory_space<vmem>>, vector<1x16xf32>,
        %parallel_loop3A_324 = vector.shape_cast %parallel_loop3A_323 : vector<1x16xf32> to vector<16xf32>
        %parallel_loop3A_325 = vector.shape_cast %parallel_loop3A_313 : vector<16xf32> to vector<1x16xf32>
        tpu.vector_store %arg10[%parallel_loop3A_321, %parallel_loop3A_322], %parallel_loop3A_325 {add = true, strides = array<i32>} : memref<400x128xf32, #tpu.memory_space<vmem>>, vector<1x16xf32>,
        %parallel_loop3A_326 = arith.index_cast %parallel_loop3A_213 : i32 to index
        %parallel_loop3A_327 = arith.constant 112 : index
        %parallel_loop3A_328 = tpu.vector_load %arg8[%parallel_loop3A_326, %parallel_loop3A_327] {strides = array<i32>} : memref<200x128xf32, #tpu.memory_space<vmem>>, vector<1x16xf32>,
        %parallel_loop3A_329 = vector.shape_cast %parallel_loop3A_328 : vector<1x16xf32> to vector<16xf32>
        %parallel_loop3A_330 = arith.index_cast %parallel_loop3A_213 : i32 to index
        %parallel_loop3A_331 = arith.constant 112 : index
        %parallel_loop3A_332 = tpu.vector_load %arg10[%parallel_loop3A_330, %parallel_loop3A_331] {strides = array<i32>} : memref<400x128xf32, #tpu.memory_space<vmem>>, vector<1x16xf32>,
        %parallel_loop3A_333 = vector.shape_cast %parallel_loop3A_332 : vector<1x16xf32> to vector<16xf32>
        %parallel_loop3A_334 = vector.shape_cast %parallel_loop3A_329 : vector<16xf32> to vector<1x16xf32>
        tpu.vector_store %arg10[%parallel_loop3A_330, %parallel_loop3A_331], %parallel_loop3A_334 {add = true, strides = array<i32>} : memref<400x128xf32, #tpu.memory_space<vmem>>, vector<1x16xf32>,
        %parallel_loop3A_335 = arith.constant 200 : i32
        %parallel_loop3A_336 = arith.addi %parallel_loop3A_335, %parallel_loop3A_213 : i32
        %parallel_loop3A_337 = arith.index_cast %parallel_loop3A_336 : i32 to index
        %parallel_loop3A_338 = arith.constant 112 : index
        %parallel_loop3A_339 = tpu.vector_load %arg10[%parallel_loop3A_337, %parallel_loop3A_338] {strides = array<i32>} : memref<400x128xf32, #tpu.memory_space<vmem>>, vector<1x16xf32>,
        %parallel_loop3A_340 = vector.shape_cast %parallel_loop3A_339 : vector<1x16xf32> to vector<16xf32>
        %parallel_loop3A_341 = vector.shape_cast %parallel_loop3A_329 : vector<16xf32> to vector<1x16xf32>
        tpu.vector_store %arg10[%parallel_loop3A_337, %parallel_loop3A_338], %parallel_loop3A_341 {add = true, strides = array<i32>} : memref<400x128xf32, #tpu.memory_space<vmem>>, vector<1x16xf32>,
      } {sc.loop_unroll_factor = 2 : i64, sc.parallel_access}
      %dma_wait3A_186 = arith.constant 0 : i32
      %dma_wait3A_187 = arith.constant 0 : i32
      %dma_wait3A_188 = tpu.memref_slice %arg10[%dma_wait3A_186, %dma_wait3A_187] : memref<400x128xf32, #tpu.memory_space<vmem>> -> memref<200x128xf32, #tpu.memory_space<vmem>>
      %dma_wait3A_189 = arith.constant 0 : i32
      %dma_wait3A_190 = arith.constant 0 : i32
      %dma_wait3A_191 = tpu.memref_slice %arg3[%dma_wait3A_189, %dma_wait3A_190] : memref<100000x128xf32, #tpu.memory_space<hbm>> -> memref<200x128xf32, #tpu.memory_space<hbm>>
      %dma_wait3A_192 = arith.constant 0 : i32
      %dma_wait3A_193 = arith.constant 0 : i32
      %dma_wait3A_194 = tpu.memref_slice %arg10[%dma_wait3A_192, %dma_wait3A_193] : memref<400x128xf32, #tpu.memory_space<vmem>> -> memref<200x128xf32, #tpu.memory_space<vmem>>
      %dma_wait3A_195 = arith.constant 0 : i32
      %dma_wait3A_196 = arith.constant 0 : i32
      %dma_wait3A_197 = tpu.memref_slice %arg3[%dma_wait3A_195, %dma_wait3A_196] : memref<100000x128xf32, #tpu.memory_space<hbm>> -> memref<200x128xf32, #tpu.memory_space<hbm>>
      tpu.wait_dma2 semaphore(%arg17 : memref<!tpu.dma_semaphore, #tpu.memory_space<semaphore_mem>>) src(%dma_wait3A_197 : memref<200x128xf32, #tpu.memory_space<hbm>>) dst(%dma_wait3A_194 : memref<200x128xf32, #tpu.memory_space<vmem>>)
      %lt3A_198 = arith.constant 7 : i32
      %lt3A_199 = arith.cmpi slt, %add3A_69, %lt3A_198 : i32
      %convert_element_type3A_200 = arith.extui %lt3A_199 : i1 to i32
      %cond3A_201 = arith.constant 0 : i32
      %cond3A_202 = arith.cmpi ne, %convert_element_type3A_200, %cond3A_201 : i32
      scf.if %cond3A_202 {
        %add3A_213 = arith.constant 2 : i32
        %add3A_214 = arith.addi %add3A_165, %add3A_213 : i32
        %mul3A_215 = arith.constant 4 : i32
        %mul3A_216 = arith.muli %add3A_214, %mul3A_215 : i32
        %add3A_217 = arith.addi %mul3A_4, %mul3A_216 : i32
        %dma_start3A_218 = arith.constant 0 : i32
        %dma_start3A_219 = tpu.memref_slice %arg2[%add3A_217, %dma_start3A_218] : memref<2048x100xi32, #tpu.memory_space<hbm>> -> memref<4x100xi32, #tpu.memory_space<hbm>>
        %dma_start3A_220 = arith.constant 0 : i32
        %dma_start3A_221 = tpu.memref_slice %arg2[%add3A_217, %dma_start3A_220] : memref<2048x100xi32, #tpu.memory_space<hbm>> -> memref<4x100xi32, #tpu.memory_space<hbm>>
        tpu.enqueue_dma source(%dma_start3A_221 : memref<4x100xi32, #tpu.memory_space<hbm>>) target(%arg7 : memref<4x100xi32, #tpu.memory_space<vmem>>) target_semaphore(%arg13 : memref<!tpu.dma_semaphore, #tpu.memory_space<semaphore_mem>>)
      } else {
      }
      %parallel_loop3A_203 = arith.constant 100 : i32
      %parallel_loop3A_204 = arith.constant 200 : i32
      %parallel_loop3A_205 = arith.constant 1 : i32
      scf.for %parallel_loop3A_213 = %parallel_loop3A_203 to %parallel_loop3A_204 step %parallel_loop3A_205  : i32 {
        %parallel_loop3A_214 = arith.index_cast %parallel_loop3A_213 : i32 to index
        %parallel_loop3A_215 = arith.constant 0 : index
        %parallel_loop3A_216 = tpu.vector_load %arg8[%parallel_loop3A_214, %parallel_loop3A_215] {strides = array<i32>} : memref<200x128xf32, #tpu.memory_space<vmem>>, vector<1x16xf32>,
        %parallel_loop3A_217 = vector.shape_cast %parallel_loop3A_216 : vector<1x16xf32> to vector<16xf32>
        %parallel_loop3A_218 = arith.index_cast %parallel_loop3A_213 : i32 to index
        %parallel_loop3A_219 = arith.constant 0 : index
        %parallel_loop3A_220 = tpu.vector_load %arg10[%parallel_loop3A_218, %parallel_loop3A_219] {strides = array<i32>} : memref<400x128xf32, #tpu.memory_space<vmem>>, vector<1x16xf32>,
        %parallel_loop3A_221 = vector.shape_cast %parallel_loop3A_220 : vector<1x16xf32> to vector<16xf32>
        %parallel_loop3A_222 = vector.shape_cast %parallel_loop3A_217 : vector<16xf32> to vector<1x16xf32>
        tpu.vector_store %arg10[%parallel_loop3A_218, %parallel_loop3A_219], %parallel_loop3A_222 {add = true, strides = array<i32>} : memref<400x128xf32, #tpu.memory_space<vmem>>, vector<1x16xf32>,
        %parallel_loop3A_223 = arith.constant 200 : i32
        %parallel_loop3A_224 = arith.addi %parallel_loop3A_223, %parallel_loop3A_213 : i32
        %parallel_loop3A_225 = arith.index_cast %parallel_loop3A_224 : i32 to index
        %parallel_loop3A_226 = arith.constant 0 : index
        %parallel_loop3A_227 = tpu.vector_load %arg10[%parallel_loop3A_225, %parallel_loop3A_226] {strides = array<i32>} : memref<400x128xf32, #tpu.memory_space<vmem>>, vector<1x16xf32>,
        %parallel_loop3A_228 = vector.shape_cast %parallel_loop3A_227 : vector<1x16xf32> to vector<16xf32>
        %parallel_loop3A_229 = vector.shape_cast %parallel_loop3A_217 : vector<16xf32> to vector<1x16xf32>
        tpu.vector_store %arg10[%parallel_loop3A_225, %parallel_loop3A_226], %parallel_loop3A_229 {add = true, strides = array<i32>} : memref<400x128xf32, #tpu.memory_space<vmem>>, vector<1x16xf32>,
        %parallel_loop3A_230 = arith.index_cast %parallel_loop3A_213 : i32 to index
        %parallel_loop3A_231 = arith.constant 16 : index
        %parallel_loop3A_232 = tpu.vector_load %arg8[%parallel_loop3A_230, %parallel_loop3A_231] {strides = array<i32>} : memref<200x128xf32, #tpu.memory_space<vmem>>, vector<1x16xf32>,
        %parallel_loop3A_233 = vector.shape_cast %parallel_loop3A_232 : vector<1x16xf32> to vector<16xf32>
        %parallel_loop3A_234 = arith.index_cast %parallel_loop3A_213 : i32 to index
        %parallel_loop3A_235 = arith.constant 16 : index
        %parallel_loop3A_236 = tpu.vector_load %arg10[%parallel_loop3A_234, %parallel_loop3A_235] {strides = array<i32>} : memref<400x128xf32, #tpu.memory_space<vmem>>, vector<1x16xf32>,
        %parallel_loop3A_237 = vector.shape_cast %parallel_loop3A_236 : vector<1x16xf32> to vector<16xf32>
        %parallel_loop3A_238 = vector.shape_cast %parallel_loop3A_233 : vector<16xf32> to vector<1x16xf32>
        tpu.vector_store %arg10[%parallel_loop3A_234, %parallel_loop3A_235], %parallel_loop3A_238 {add = true, strides = array<i32>} : memref<400x128xf32, #tpu.memory_space<vmem>>, vector<1x16xf32>,
        %parallel_loop3A_239 = arith.constant 200 : i32
        %parallel_loop3A_240 = arith.addi %parallel_loop3A_239, %parallel_loop3A_213 : i32
        %parallel_loop3A_241 = arith.index_cast %parallel_loop3A_240 : i32 to index
        %parallel_loop3A_242 = arith.constant 16 : index
        %parallel_loop3A_243 = tpu.vector_load %arg10[%parallel_loop3A_241, %parallel_loop3A_242] {strides = array<i32>} : memref<400x128xf32, #tpu.memory_space<vmem>>, vector<1x16xf32>,
        %parallel_loop3A_244 = vector.shape_cast %parallel_loop3A_243 : vector<1x16xf32> to vector<16xf32>
        %parallel_loop3A_245 = vector.shape_cast %parallel_loop3A_233 : vector<16xf32> to vector<1x16xf32>
        tpu.vector_store %arg10[%parallel_loop3A_241, %parallel_loop3A_242], %parallel_loop3A_245 {add = true, strides = array<i32>} : memref<400x128xf32, #tpu.memory_space<vmem>>, vector<1x16xf32>,
        %parallel_loop3A_246 = arith.index_cast %parallel_loop3A_213 : i32 to index
        %parallel_loop3A_247 = arith.constant 32 : index
        %parallel_loop3A_248 = tpu.vector_load %arg8[%parallel_loop3A_246, %parallel_loop3A_247] {strides = array<i32>} : memref<200x128xf32, #tpu.memory_space<vmem>>, vector<1x16xf32>,
        %parallel_loop3A_249 = vector.shape_cast %parallel_loop3A_248 : vector<1x16xf32> to vector<16xf32>
        %parallel_loop3A_250 = arith.index_cast %parallel_loop3A_213 : i32 to index
        %parallel_loop3A_251 = arith.constant 32 : index
        %parallel_loop3A_252 = tpu.vector_load %arg10[%parallel_loop3A_250, %parallel_loop3A_251] {strides = array<i32>} : memref<400x128xf32, #tpu.memory_space<vmem>>, vector<1x16xf32>,
        %parallel_loop3A_253 = vector.shape_cast %parallel_loop3A_252 : vector<1x16xf32> to vector<16xf32>
        %parallel_loop3A_254 = vector.shape_cast %parallel_loop3A_249 : vector<16xf32> to vector<1x16xf32>
        tpu.vector_store %arg10[%parallel_loop3A_250, %parallel_loop3A_251], %parallel_loop3A_254 {add = true, strides = array<i32>} : memref<400x128xf32, #tpu.memory_space<vmem>>, vector<1x16xf32>,
        %parallel_loop3A_255 = arith.constant 200 : i32
        %parallel_loop3A_256 = arith.addi %parallel_loop3A_255, %parallel_loop3A_213 : i32
        %parallel_loop3A_257 = arith.index_cast %parallel_loop3A_256 : i32 to index
        %parallel_loop3A_258 = arith.constant 32 : index
        %parallel_loop3A_259 = tpu.vector_load %arg10[%parallel_loop3A_257, %parallel_loop3A_258] {strides = array<i32>} : memref<400x128xf32, #tpu.memory_space<vmem>>, vector<1x16xf32>,
        %parallel_loop3A_260 = vector.shape_cast %parallel_loop3A_259 : vector<1x16xf32> to vector<16xf32>
        %parallel_loop3A_261 = vector.shape_cast %parallel_loop3A_249 : vector<16xf32> to vector<1x16xf32>
        tpu.vector_store %arg10[%parallel_loop3A_257, %parallel_loop3A_258], %parallel_loop3A_261 {add = true, strides = array<i32>} : memref<400x128xf32, #tpu.memory_space<vmem>>, vector<1x16xf32>,
        %parallel_loop3A_262 = arith.index_cast %parallel_loop3A_213 : i32 to index
        %parallel_loop3A_263 = arith.constant 48 : index
        %parallel_loop3A_264 = tpu.vector_load %arg8[%parallel_loop3A_262, %parallel_loop3A_263] {strides = array<i32>} : memref<200x128xf32, #tpu.memory_space<vmem>>, vector<1x16xf32>,
        %parallel_loop3A_265 = vector.shape_cast %parallel_loop3A_264 : vector<1x16xf32> to vector<16xf32>
        %parallel_loop3A_266 = arith.index_cast %parallel_loop3A_213 : i32 to index
        %parallel_loop3A_267 = arith.constant 48 : index
        %parallel_loop3A_268 = tpu.vector_load %arg10[%parallel_loop3A_266, %parallel_loop3A_267] {strides = array<i32>} : memref<400x128xf32, #tpu.memory_space<vmem>>, vector<1x16xf32>,
        %parallel_loop3A_269 = vector.shape_cast %parallel_loop3A_268 : vector<1x16xf32> to vector<16xf32>
        %parallel_loop3A_270 = vector.shape_cast %parallel_loop3A_265 : vector<16xf32> to vector<1x16xf32>
        tpu.vector_store %arg10[%parallel_loop3A_266, %parallel_loop3A_267], %parallel_loop3A_270 {add = true, strides = array<i32>} : memref<400x128xf32, #tpu.memory_space<vmem>>, vector<1x16xf32>,
        %parallel_loop3A_271 = arith.constant 200 : i32
        %parallel_loop3A_272 = arith.addi %parallel_loop3A_271, %parallel_loop3A_213 : i32
        %parallel_loop3A_273 = arith.index_cast %parallel_loop3A_272 : i32 to index
        %parallel_loop3A_274 = arith.constant 48 : index
        %parallel_loop3A_275 = tpu.vector_load %arg10[%parallel_loop3A_273, %parallel_loop3A_274] {strides = array<i32>} : memref<400x128xf32, #tpu.memory_space<vmem>>, vector<1x16xf32>,
        %parallel_loop3A_276 = vector.shape_cast %parallel_loop3A_275 : vector<1x16xf32> to vector<16xf32>
        %parallel_loop3A_277 = vector.shape_cast %parallel_loop3A_265 : vector<16xf32> to vector<1x16xf32>
        tpu.vector_store %arg10[%parallel_loop3A_273, %parallel_loop3A_274], %parallel_loop3A_277 {add = true, strides = array<i32>} : memref<400x128xf32, #tpu.memory_space<vmem>>, vector<1x16xf32>,
        %parallel_loop3A_278 = arith.index_cast %parallel_loop3A_213 : i32 to index
        %parallel_loop3A_279 = arith.constant 64 : index
        %parallel_loop3A_280 = tpu.vector_load %arg8[%parallel_loop3A_278, %parallel_loop3A_279] {strides = array<i32>} : memref<200x128xf32, #tpu.memory_space<vmem>>, vector<1x16xf32>,
        %parallel_loop3A_281 = vector.shape_cast %parallel_loop3A_280 : vector<1x16xf32> to vector<16xf32>
        %parallel_loop3A_282 = arith.index_cast %parallel_loop3A_213 : i32 to index
        %parallel_loop3A_283 = arith.constant 64 : index
        %parallel_loop3A_284 = tpu.vector_load %arg10[%parallel_loop3A_282, %parallel_loop3A_283] {strides = array<i32>} : memref<400x128xf32, #tpu.memory_space<vmem>>, vector<1x16xf32>,
        %parallel_loop3A_285 = vector.shape_cast %parallel_loop3A_284 : vector<1x16xf32> to vector<16xf32>
        %parallel_loop3A_286 = vector.shape_cast %parallel_loop3A_281 : vector<16xf32> to vector<1x16xf32>
        tpu.vector_store %arg10[%parallel_loop3A_282, %parallel_loop3A_283], %parallel_loop3A_286 {add = true, strides = array<i32>} : memref<400x128xf32, #tpu.memory_space<vmem>>, vector<1x16xf32>,
        %parallel_loop3A_287 = arith.constant 200 : i32
        %parallel_loop3A_288 = arith.addi %parallel_loop3A_287, %parallel_loop3A_213 : i32
        %parallel_loop3A_289 = arith.index_cast %parallel_loop3A_288 : i32 to index
        %parallel_loop3A_290 = arith.constant 64 : index
        %parallel_loop3A_291 = tpu.vector_load %arg10[%parallel_loop3A_289, %parallel_loop3A_290] {strides = array<i32>} : memref<400x128xf32, #tpu.memory_space<vmem>>, vector<1x16xf32>,
        %parallel_loop3A_292 = vector.shape_cast %parallel_loop3A_291 : vector<1x16xf32> to vector<16xf32>
        %parallel_loop3A_293 = vector.shape_cast %parallel_loop3A_281 : vector<16xf32> to vector<1x16xf32>
        tpu.vector_store %arg10[%parallel_loop3A_289, %parallel_loop3A_290], %parallel_loop3A_293 {add = true, strides = array<i32>} : memref<400x128xf32, #tpu.memory_space<vmem>>, vector<1x16xf32>,
        %parallel_loop3A_294 = arith.index_cast %parallel_loop3A_213 : i32 to index
        %parallel_loop3A_295 = arith.constant 80 : index
        %parallel_loop3A_296 = tpu.vector_load %arg8[%parallel_loop3A_294, %parallel_loop3A_295] {strides = array<i32>} : memref<200x128xf32, #tpu.memory_space<vmem>>, vector<1x16xf32>,
        %parallel_loop3A_297 = vector.shape_cast %parallel_loop3A_296 : vector<1x16xf32> to vector<16xf32>
        %parallel_loop3A_298 = arith.index_cast %parallel_loop3A_213 : i32 to index
        %parallel_loop3A_299 = arith.constant 80 : index
        %parallel_loop3A_300 = tpu.vector_load %arg10[%parallel_loop3A_298, %parallel_loop3A_299] {strides = array<i32>} : memref<400x128xf32, #tpu.memory_space<vmem>>, vector<1x16xf32>,
        %parallel_loop3A_301 = vector.shape_cast %parallel_loop3A_300 : vector<1x16xf32> to vector<16xf32>
        %parallel_loop3A_302 = vector.shape_cast %parallel_loop3A_297 : vector<16xf32> to vector<1x16xf32>
        tpu.vector_store %arg10[%parallel_loop3A_298, %parallel_loop3A_299], %parallel_loop3A_302 {add = true, strides = array<i32>} : memref<400x128xf32, #tpu.memory_space<vmem>>, vector<1x16xf32>,
        %parallel_loop3A_303 = arith.constant 200 : i32
        %parallel_loop3A_304 = arith.addi %parallel_loop3A_303, %parallel_loop3A_213 : i32
        %parallel_loop3A_305 = arith.index_cast %parallel_loop3A_304 : i32 to index
        %parallel_loop3A_306 = arith.constant 80 : index
        %parallel_loop3A_307 = tpu.vector_load %arg10[%parallel_loop3A_305, %parallel_loop3A_306] {strides = array<i32>} : memref<400x128xf32, #tpu.memory_space<vmem>>, vector<1x16xf32>,
        %parallel_loop3A_308 = vector.shape_cast %parallel_loop3A_307 : vector<1x16xf32> to vector<16xf32>
        %parallel_loop3A_309 = vector.shape_cast %parallel_loop3A_297 : vector<16xf32> to vector<1x16xf32>
        tpu.vector_store %arg10[%parallel_loop3A_305, %parallel_loop3A_306], %parallel_loop3A_309 {add = true, strides = array<i32>} : memref<400x128xf32, #tpu.memory_space<vmem>>, vector<1x16xf32>,
        %parallel_loop3A_310 = arith.index_cast %parallel_loop3A_213 : i32 to index
        %parallel_loop3A_311 = arith.constant 96 : index
        %parallel_loop3A_312 = tpu.vector_load %arg8[%parallel_loop3A_310, %parallel_loop3A_311] {strides = array<i32>} : memref<200x128xf32, #tpu.memory_space<vmem>>, vector<1x16xf32>,
        %parallel_loop3A_313 = vector.shape_cast %parallel_loop3A_312 : vector<1x16xf32> to vector<16xf32>
        %parallel_loop3A_314 = arith.index_cast %parallel_loop3A_213 : i32 to index
        %parallel_loop3A_315 = arith.constant 96 : index
        %parallel_loop3A_316 = tpu.vector_load %arg10[%parallel_loop3A_314, %parallel_loop3A_315] {strides = array<i32>} : memref<400x128xf32, #tpu.memory_space<vmem>>, vector<1x16xf32>,
        %parallel_loop3A_317 = vector.shape_cast %parallel_loop3A_316 : vector<1x16xf32> to vector<16xf32>
        %parallel_loop3A_318 = vector.shape_cast %parallel_loop3A_313 : vector<16xf32> to vector<1x16xf32>
        tpu.vector_store %arg10[%parallel_loop3A_314, %parallel_loop3A_315], %parallel_loop3A_318 {add = true, strides = array<i32>} : memref<400x128xf32, #tpu.memory_space<vmem>>, vector<1x16xf32>,
        %parallel_loop3A_319 = arith.constant 200 : i32
        %parallel_loop3A_320 = arith.addi %parallel_loop3A_319, %parallel_loop3A_213 : i32
        %parallel_loop3A_321 = arith.index_cast %parallel_loop3A_320 : i32 to index
        %parallel_loop3A_322 = arith.constant 96 : index
        %parallel_loop3A_323 = tpu.vector_load %arg10[%parallel_loop3A_321, %parallel_loop3A_322] {strides = array<i32>} : memref<400x128xf32, #tpu.memory_space<vmem>>, vector<1x16xf32>,
        %parallel_loop3A_324 = vector.shape_cast %parallel_loop3A_323 : vector<1x16xf32> to vector<16xf32>
        %parallel_loop3A_325 = vector.shape_cast %parallel_loop3A_313 : vector<16xf32> to vector<1x16xf32>
        tpu.vector_store %arg10[%parallel_loop3A_321, %parallel_loop3A_322], %parallel_loop3A_325 {add = true, strides = array<i32>} : memref<400x128xf32, #tpu.memory_space<vmem>>, vector<1x16xf32>,
        %parallel_loop3A_326 = arith.index_cast %parallel_loop3A_213 : i32 to index
        %parallel_loop3A_327 = arith.constant 112 : index
        %parallel_loop3A_328 = tpu.vector_load %arg8[%parallel_loop3A_326, %parallel_loop3A_327] {strides = array<i32>} : memref<200x128xf32, #tpu.memory_space<vmem>>, vector<1x16xf32>,
        %parallel_loop3A_329 = vector.shape_cast %parallel_loop3A_328 : vector<1x16xf32> to vector<16xf32>
        %parallel_loop3A_330 = arith.index_cast %parallel_loop3A_213 : i32 to index
        %parallel_loop3A_331 = arith.constant 112 : index
        %parallel_loop3A_332 = tpu.vector_load %arg10[%parallel_loop3A_330, %parallel_loop3A_331] {strides = array<i32>} : memref<400x128xf32, #tpu.memory_space<vmem>>, vector<1x16xf32>,
        %parallel_loop3A_333 = vector.shape_cast %parallel_loop3A_332 : vector<1x16xf32> to vector<16xf32>
        %parallel_loop3A_334 = vector.shape_cast %parallel_loop3A_329 : vector<16xf32> to vector<1x16xf32>
        tpu.vector_store %arg10[%parallel_loop3A_330, %parallel_loop3A_331], %parallel_loop3A_334 {add = true, strides = array<i32>} : memref<400x128xf32, #tpu.memory_space<vmem>>, vector<1x16xf32>,
        %parallel_loop3A_335 = arith.constant 200 : i32
        %parallel_loop3A_336 = arith.addi %parallel_loop3A_335, %parallel_loop3A_213 : i32
        %parallel_loop3A_337 = arith.index_cast %parallel_loop3A_336 : i32 to index
        %parallel_loop3A_338 = arith.constant 112 : index
        %parallel_loop3A_339 = tpu.vector_load %arg10[%parallel_loop3A_337, %parallel_loop3A_338] {strides = array<i32>} : memref<400x128xf32, #tpu.memory_space<vmem>>, vector<1x16xf32>,
        %parallel_loop3A_340 = vector.shape_cast %parallel_loop3A_339 : vector<1x16xf32> to vector<16xf32>
        %parallel_loop3A_341 = vector.shape_cast %parallel_loop3A_329 : vector<16xf32> to vector<1x16xf32>
        tpu.vector_store %arg10[%parallel_loop3A_337, %parallel_loop3A_338], %parallel_loop3A_341 {add = true, strides = array<i32>} : memref<400x128xf32, #tpu.memory_space<vmem>>, vector<1x16xf32>,
      } {sc.loop_unroll_factor = 2 : i64, sc.parallel_access}
      %mul3A_206 = arith.constant 400 : i32
      %mul3A_207 = arith.muli %add3A_165, %mul3A_206 : i32
      %add3A_208 = arith.addi %mul3A_2, %mul3A_207 : i32
      %dma_start3A_209 = arith.constant 0 : i32
      %dma_start3A_210 = tpu.memref_slice %arg5[%add3A_208, %dma_start3A_209] : memref<204800x128xf32, #tpu.memory_space<hbm>> -> memref<400x128xf32, #tpu.memory_space<hbm>>
      %dma_start3A_211 = arith.constant 0 : i32
      %dma_start3A_212 = tpu.memref_slice %arg5[%add3A_208, %dma_start3A_211] : memref<204800x128xf32, #tpu.memory_space<hbm>> -> memref<400x128xf32, #tpu.memory_space<hbm>>
      tpu.enqueue_dma source(%arg10 : memref<400x128xf32, #tpu.memory_space<vmem>>) target(%dma_start3A_212 : memref<400x128xf32, #tpu.memory_space<hbm>>) target_semaphore(%arg19 : memref<!tpu.dma_semaphore, #tpu.memory_space<semaphore_mem>>)
    }
    %scan3A_53 = arith.constant 8 : i32
    %dma_wait3A = arith.constant 0 : i32
    %dma_wait3A_54 = arith.constant 0 : i32
    %dma_wait3A_55 = tpu.memref_slice %arg5[%dma_wait3A, %dma_wait3A_54] : memref<204800x128xf32, #tpu.memory_space<hbm>> -> memref<400x128xf32, #tpu.memory_space<hbm>>
    %dma_wait3A_56 = arith.constant 0 : i32
    %dma_wait3A_57 = arith.constant 0 : i32
    %dma_wait3A_58 = tpu.memref_slice %arg5[%dma_wait3A_56, %dma_wait3A_57] : memref<204800x128xf32, #tpu.memory_space<hbm>> -> memref<400x128xf32, #tpu.memory_space<hbm>>
    tpu.wait_dma2 semaphore(%arg18 : memref<!tpu.dma_semaphore, #tpu.memory_space<semaphore_mem>>) src(%arg9 : memref<400x128xf32, #tpu.memory_space<vmem>>) dst(%dma_wait3A_58 : memref<400x128xf32, #tpu.memory_space<hbm>>)
    %dma_wait3A_59 = arith.constant 0 : i32
    %dma_wait3A_60 = arith.constant 0 : i32
    %dma_wait3A_61 = tpu.memref_slice %arg5[%dma_wait3A_59, %dma_wait3A_60] : memref<204800x128xf32, #tpu.memory_space<hbm>> -> memref<400x128xf32, #tpu.memory_space<hbm>>
    %dma_wait3A_62 = arith.constant 0 : i32
    %dma_wait3A_63 = arith.constant 0 : i32
    %dma_wait3A_64 = tpu.memref_slice %arg5[%dma_wait3A_62, %dma_wait3A_63] : memref<204800x128xf32, #tpu.memory_space<hbm>> -> memref<400x128xf32, #tpu.memory_space<hbm>>
    tpu.wait_dma2 semaphore(%arg19 : memref<!tpu.dma_semaphore, #tpu.memory_space<semaphore_mem>>) src(%arg10 : memref<400x128xf32, #tpu.memory_space<vmem>>) dst(%dma_wait3A_64 : memref<400x128xf32, #tpu.memory_space<hbm>>)
    return
  }
}

</mosaic_0001>

<sc_bundles>
// kernel: kernel.3.cloned.1.call-start
scs
__scs_entry_jumppad:
0x0: {  	(pc) =	sbr.rel $0x88, $3  }
0x1: {  	(tag) =	ssettag $0x0;
	lr =	simm.s32 $0x1  }
0x2: {  	[smem:$0x3F9E] =	sst lr;
	_ =	strace $0xD0000000  }
0x3: {  	_ = 	snop  }
0x4: {  	_ = 	snop  }
0x5: {  	_ = 	snop  }
0x6: {  	_ = 	snop  }
0x7: {  	_ = 	snop  }
__scs_overlays_trampoline_lowered:
0x8: {  	[smem:$0x3FAD] =	sst s0  }
0x9: {  	[smem:$0x3FAE] =	sst s1  }
0xa: {  	[smem:$0x3FAF] =	sst s2  }
0xb: {  	[smem:$0x3FB0] =	sst s3  }
0xc: {  	[smem:$0x3FB1] =	sst s4  }
0xd: {  	[smem:$0x3FB2] =	sst s5  }
0xe: {  	[smem:$0x3FB3] =	sst s6  }
0xf: {  	[smem:$0x3FB4] =	sst s7  }
0x10: {  	[smem:$0x3FB5] =	sst s8  }
0x11: {  	[smem:$0x3FB6] =	sst s9;
	s0 =	simm.s32 @!p0 $0x0  }
0x12: {  	s1 =	sld [smem:$0x3F9C];
	s0 =	simm.s32 @p0 $0x1  }
0x13: {  	[smem:$0x3FB7] =	sst s0;
	s0 =	simm.s32 @!p1 $0x0  }
0x14: {  	s2 =	sld [smem:$0x3F9B];
	s0 =	simm.s32 @p1 $0x1  }
0x15: {  	[smem:$0x3FB8] =	sst s0;
	s0 =	simm.s32 @!p2 $0x0  }
0x16: {  	s3 =	sld [smem:$0x3FDB];
	s0 =	simm.s32 @p2 $0x1  }
0x17: {  	s4 =	simm.s32 $0x1BF5;
	[smem:$0x3FBA] =	sst s0  }
0x18: {  	s0 =	sld [smem:$0x3F9D];
	_ =	swait.ge [sflag:s4], $0x0  }
0x19: {  	s7 =	sld [smem:$0x3F9E]  }
0x1a: {  	s8 =	sadd.s32 $0xFFFFE003, lr  }
0x1b: {  	s9 =	sadd.s32 $0xFFFFFEF7, lr;
	s5 =	simm.s32 $0xFFFFFFFF;
	p2 =	slt.u32 s8, $0xFFFFF086  }
0x1c: {  	p1 =	slt.u32 s9, $0xF7A;
	s5 =	simm.s32 @!p2 $0x0  }
0x1d: {  	s5 =	simm.s32 @p1 $0x1;
	p0 =	seq.s32 s7, s2  }
0x1e: {  	s7 =	smul.u32 @!p0 $0xF7A, s2;
	p2 =	seq.s32 @!p0 s5, $0x0  }
0x1f: {  	s9 =	smul.u32 $0xF7A, s1;
	s8 =	simm.s32 @!p0 $0x1BF5;
	p2 =	por !p2, p0  }
0x20: {  	[sflag:s8] =	ssyncset.s32 @!p0 $0xFFFFF086;
	s6 =	sadd.s32 @!p0 s3, s7;
	s7 =	simm.s32 @!p0 $0x108  }
0x21: {  	s3 =	sadd.s32 s3, s9;
	s6 =	sadd.s32 @!p0 $0x88, s6;
	s7 =	simm.s32 @p2 $0x1082  }
0x22: {  	[simem:s7], [sflag:s8] =	dma.local @!p0 [hbm:s6], $0xF7A  }
0x23: {  	s9 =	sor.u32 $0xD0000000, s2;
	s6 =	simm.s32 $0x108;
	_ =	swait.ge @!p0 [sflag:s8], $0x0  }
0x24: {  	s3 =	sadd.s32 $0x88, s3;
	s6 =	simm.s32 @!p1 $0x1082;
	[sflag:s4] =	ssyncset.s32 $0xFFFFF086  }
0x25: {  	[simem:s6], [sflag:s4] =	dma.local [hbm:s3], $0xF7A  }
0x26: {  	[smem:$0x3F9E] =	sst s1;
	(tag) =	ssettag s2;
	_ =	strace s9  }
0x27: {  	s1 =	sld [smem:$0x3FAE]  }
0x28: {  	s2 =	sld [smem:$0x3FAF]  }
0x29: {  	s4 =	sld [smem:$0x3FB1]  }
0x2a: {  	p0 =	seq.s32 s5, $0x0;
	s5 =	sld [smem:$0x3FB2]  }
0x2b: {  	s6 =	sld [smem:$0x3FB3]  }
0x2c: {  	s7 =	sld [smem:$0x3FB4]  }
0x2d: {  	s3 =	simm.s32 $0x108;
	s8 =	sld [smem:$0x3FB5]  }
0x2e: {  	s3 =	simm.s32 @!p0 $0x1082;
	s9 =	sld [smem:$0x3FB6]  }
0x2f: {  	lr =	sadd.s32 s0, s3;
	s0 =	sld [smem:$0x3FAD]  }
0x30: {  	s3 =	sld [smem:$0x3FB0]  }
0x31: {  	[smem:$0x3FB9] =	sst s10  }
0x32: {  	s10 =	sld [smem:$0x3FB7];
	_ =	sdelay $0x3  }
0x33: {  	p0 =	seq.s32 s10, $0x1;
	s10 =	sld [smem:$0x3FB9];
	_ =	sdelay $0x3  }
0x34: {  	[smem:$0x3FB9] =	sst s10  }
0x35: {  	s10 =	sld [smem:$0x3FB8];
	_ =	sdelay $0x3  }
0x36: {  	p1 =	seq.s32 s10, $0x1;
	s10 =	sld [smem:$0x3FB9];
	_ =	sdelay $0x3  }
0x37: {  	[smem:$0x3FB9] =	sst s10  }
0x38: {  	s10 =	sld [smem:$0x3FBA]  }
0x39: {  	_ = 	snop;
	(pc) =	sbr.ind lr, $3  }
0x3a: {  	_ = 	snop  }
0x3b: {  	_ = 	snop  }
0x3c: {  	p2 =	seq.s32 s10, $0x1;
	s10 =	sld [smem:$0x3FB9]  }
0x3d: {  	_ =	shalt  }
0x3e: {  	_ =	shalt  }
0x3f: {  	_ =	shalt  }
0x40: {  	_ =	shalt  }
0x41: {  	_ =	shalt  }
0x42: {  	_ =	shalt  }
0x43: {  	_ =	shalt  }
0x44: {  	_ =	shalt  }
0x45: {  	_ =	shalt  }
0x46: {  	_ =	shalt  }
0x47: {  	_ =	shalt  }
0x48: {  	_ =	shalt  }
0x49: {  	_ =	shalt  }
0x4a: {  	_ =	shalt  }
0x4b: {  	_ =	shalt  }
0x4c: {  	_ =	shalt  }
0x4d: {  	_ =	shalt  }
0x4e: {  	_ =	shalt  }
0x4f: {  	_ =	shalt  }
0x50: {  	_ =	shalt  }
0x51: {  	_ =	shalt  }
0x52: {  	_ =	shalt  }
0x53: {  	_ =	shalt  }
0x54: {  	_ =	shalt  }
0x55: {  	_ =	shalt  }
0x56: {  	_ =	shalt  }
0x57: {  	_ =	shalt  }
0x58: {  	_ =	shalt  }
0x59: {  	_ =	shalt  }
0x5a: {  	_ =	shalt  }
0x5b: {  	_ =	shalt  }
0x5c: {  	_ =	shalt  }
0x5d: {  	_ =	shalt  }
0x5e: {  	_ =	shalt  }
0x5f: {  	_ =	shalt  }
0x60: {  	_ =	shalt  }
0x61: {  	_ =	shalt  }
0x62: {  	_ =	shalt  }
0x63: {  	_ =	shalt  }
0x64: {  	_ =	shalt  }
0x65: {  	_ =	shalt  }
0x66: {  	_ =	shalt  }
0x67: {  	_ =	shalt  }
0x68: {  	_ =	shalt  }
0x69: {  	_ =	shalt  }
0x6a: {  	_ =	shalt  }
0x6b: {  	_ =	shalt  }
0x6c: {  	_ =	shalt  }
0x6d: {  	_ =	shalt  }
0x6e: {  	_ =	shalt  }
0x6f: {  	_ =	shalt  }
0x70: {  	_ =	shalt  }
0x71: {  	_ =	shalt  }
0x72: {  	_ =	shalt  }
0x73: {  	_ =	shalt  }
0x74: {  	_ =	shalt  }
0x75: {  	_ =	shalt  }
0x76: {  	_ =	shalt  }
0x77: {  	_ =	shalt  }
0x78: {  	_ =	shalt  }
0x79: {  	_ =	shalt  }
0x7a: {  	_ =	shalt  }
0x7b: {  	_ =	shalt  }
0x7c: {  	_ =	shalt  }
0x7d: {  	_ =	shalt  }
0x7e: {  	_ =	shalt  }
0x7f: {  	_ =	shalt  }
0x80: {  	_ =	shalt  }
0x81: {  	_ =	shalt  }
0x82: {  	_ =	shalt  }
0x83: {  	_ =	shalt  }
0x84: {  	_ =	shalt  }
0x85: {  	_ =	shalt  }
0x86: {  	_ =	shalt  }
0x87: {  	_ =	shalt  }
.Lfunc_end0:
.L_simem_size_0:
called_computation_lowered:
.L_overlay_start_0:
0x88: {  	s2 =	sld [smem:$0x3FD9]  }
0x89: {  	s3 =	sld [smem:$0x3FFE];
	_ =	sdelay $0x1  }
0x8a: {  	s1 =	srdreg.scid  }
0x8b: {  	s0 =	sand.u32 $0x1, s1  }
0x8c: {  	s17 =	sshll.u32 s0, $0xA;
	s2 =	sadd.s32 s3, s2  }
0x8d: {  	s2 =	sadd.s32 s2, s17  }
0x8e: {  	[smem:$0x3FC5] =	sst s2  }
0x8f: {  	_ = 	snop  }
0x90: {  	s2 =	sld [smem:$0x3FC8]  }
0x91: {  	s18 =	sld [smem:$0x3FC7]  }
0x92: {  	s4 =	sld [smem:$0x3FD0];
	(tm) =	ssettm $0x1  }
0x93: {  	s5 =	sld [smem:$0x3FFB];
	_ =	sdelay $0x3  }
0x94: {  	_ =	strace s5  }
0x95: {  	s5 =	sld [smem:$0x3FFC];
	_ =	sdelay $0x3  }
0x96: {  	_ =	strace s5  }
0x97: {  	s5 =	sld [smem:$0x3FFD];
	_ =	sdelay $0x3  }
0x98: {  	_ =	strace s5  }
0x99: {  	_ =	strace $0x8FFFFFFF  }
0x9a: {  	s19 =	sld [smem:$0x3FDB];
	_ =	sdelay $0x1  }
0x9b: {  	s6 =	simm.s32 $_scs_section_size  }
0x9c: {  	s7 =	simm.s32 $_size__tile_overlayer_lowered;
	s8 =	simm.s32 $_tile_overlayer_lowered  }
0x9d: {  	s22 =	simm.s32 $0x1BFF;
	s21 =	sshll.u32 s8, $0x1;
	s5 =	sadd.s32 s6, s19  }
0x9e: {  	s9 =	simm.s32 $0x0;
	s20 =	sshll.u32 s7, $0x1;
	s7 =	sadd.s32 s21, s5  }
0x9f: {  	[timem:s9], [sflag:s22] =	dma.local [hbm:s7], s20  }
0xa0: {  	_ =	swait.ge [sflag:s22], s20  }
0xa1: {  	s6 =	ssub.s32 $0x0, s20;
	[sflag:s22] =	ssyncset.done $0x0  }
0xa2: {  	[sflag:s22] =	ssyncadd.s32 s6;
	_ =	sdelay $0x1  }
0xa3: {  	s23 =	simm.s32 $0x1B8B  }
0xa4: {  	_ =	swait.ge [sflag:s23], $0x1  }
0xa5: {  	[sflag:s23] =	ssyncset.done $0x0  }
0xa6: {  	s25 =	simm.s32 $0x1B8E;
	s24 =	sld [smem:$0x3FFE];
	[sflag:s23] =	ssyncadd.s32 $0xFFFFFFFF  }
0xa7: {  	s26 =	simm.s32 $execute0_lowered;
	[smem:$0x3FD2] =	sst s25  }
0xa8: {  	s7 =	sshll.u32 s26, $0x1;
	_ =	strace $0x80000046;
	[dreg:$0x1] =	wrdreg $0xFFFFFFFF  }
0xa9: {  	s28 =	simm.s32 $_size_execute0_lowered;
	s5 =	sadd.s32 s5, s7;
	[dreg:$0x0] =	wrdreg $0x0  }
0xaa: {  	s7 =	sshll.u32 s28, $0x1;
	[dreg:$0x2] =	wrdreg s5  }
0xab: {  	[dreg:$0x3] =	wrdreg s7  }
0xac: {  	[dreg:$0x4] =	wrdreg $0xC0  }
0xad: {  	_ =	task [dreg:s9], $0x5FFFF  }
0xae: {  	[dreg:$0x1] =	wrdreg $0xFFFFFFFF  }
0xaf: {  	[dreg:$0x0] =	wrdreg $0x60  }
0xb0: {  	[dreg:$0x2] =	wrdreg s24  }
0xb1: {  	[dreg:$0x3] =	wrdreg s2  }
0xb2: {  	[dreg:$0x4] =	wrdreg s18  }
0xb3: {  	[dreg:$0x5] =	wrdreg s4  }
0xb4: {  	[dreg:$0x6] =	wrdreg $0x9  }
0xb5: {  	_ =	task.clear_ibuf [dreg:s9], $0x7FFFF;
	_ =	strace $0x90000046  }
0xb6: {  	s29 =	simm.s32 $0x9;
	_ =	strace $0x80000048  }
0xb7: {  	_ =	swait.ge [sflag:s29], $0x1  }
0xb8: {  	[sflag:s29] =	ssyncadd.s32 $0xFFFFFFFF  }
0xb9: {  	_ =	strace $0x90000048  }
0xba: {  	_ =	sfence  }
0xbb: {  	s30 =	sld [smem:$0x0];
	_ =	sdelay $0x2  }
0xbc: {  	s31 =	sshll.u32 s1, $0xD;
	s1 =	sshrl.u32 s1, $0x2  }
0xbd: {  	s3 =	sand.u32 $0x4000, s31;
	s1 =	sadd.s32 s1, s30  }
0xbe: {  	s0 =	sor.u32 s3, s0;
	s1 =	sshll.u32 s1, $0x11  }
0xbf: {  	s0 =	sor.u32 s1, s0  }
0xc0: {  	s0 =	sadd.s32 $0x8F2B, s0  }
0xc1: {  	[sflag:s0] =	ssyncadd.remote.s32 $0x1  }
0xc2: {  	_ =	sfence.sel $0xFFFF  }
0xc3: {  	[dreg:$0x0] =	wrdreg $0xFFFFFFFF;
	(pc) =	sbr.abs _section_cstart, $3  }
0xc4: {  	[dreg:$0x1] =	wrdreg $0xFFFFFFFF  }
0xc5: {  	_ =	task.clear_ibuf [dreg:s9], $0x2FFFF;
	_ =	strace $0x9FFFFFFF  }
0xc6: {  	(tm) =	ssettm $0x7FFFFFFF  }
0xc7: {  	_ =	shalt  }
tec
execute0_lowered:
.L_overlay_start_1:
0x0: {  	(tag) =	ssettag $0x1  }
0x1: {  	s0 =	rddreg [dreg:$0x0]  }
0x2: {  	s1 =	rddreg [dreg:$0x1]  }
0x3: {  	s4 =	rddreg [dreg:$0x3]  }
0x4: {  	s2 =	srdreg.scid;
	s3 =	stileid.u32  }
0x5: {  	s5 =	simm.s32 $0x0;
	s14 =	simm.s32 $0x64;
	s15 =	simm.s32 $0x6800  }
0x6: {  	s22 =	simm.s32 $0x200;
	s28 =	simm.s32 $0x300;
	s29 =	simm.s32 $0x19400  }
0x7: {  	s30 =	simm.s32 $0x280;
	s31 =	simm.s32 $0x16200;
	s16 =	simm.s32 $0x6  }
0x8: {  	s17 =	simm.s32 $0x5;
	s18 =	simm.s32 $0x7;
	s19 =	simm.s32 $0x8  }
0x9: {  	s20 =	simm.s32 $0x9;
	s2 =	sand.u32 $0x1, s2;
	s3 =	sshll.u32 s3, $0x1  }
0xa: {  	s21 =	simm.s32 $0x0;
	[smem:$0x7FF] =	sst s5;
	s3 =	sor.u32 s2, s3  }
0xb: {  	s2 =	ssub.s32 $0x2, s2;
	_ =	strace $0x80000047;
	s7 =	sshll.u32 s3, $0xA  }
0xc: {  	s8 =	sshrl.u32 s2, $0x1;
	s6 =	smul.u32 $0x1900, s3;
	s0 =	sadd.s32 s7, s0  }
0xd: {  	s3 =	simm.s32 $0x4;
	s2 =	ssub.s32 s2, s8;
	s25 =	sadd.s32 $0x400, s0  }
0xe: {  	s26 =	sadd.s32 $0x440, s0;
	s9 =	sadd.s32 $0x190, s6;
	[dreg:$0x5] =	wrdreg s25  }
0xf: {  	s2 =	smax.u32 s2, $0x1;
	s11 =	sadd.s32 $0x480, s0;
	[dreg:$0x6] =	wrdreg s26  }
0x10: {  	s12 =	sadd.s32 $0x4C0, s0;
	s0 =	simm.s32 $0x380;
	[dreg:$0x7] =	wrdreg s2  }
0x11: {  	s25 =	simm.s32 $0x3;
	s26 =	simm.s32 $0x13000;
	s2 =	simm.s32 $0x1C600  }
.LBB2_1:
0x12: {  	s7 =	rddreg [dreg:$0x5];
	s23 =	simm.s32 $0xA  }
0x13: {  	[tilespmem:s5], [sflag:$0xA] =	stream.linear.gather [hbm4b:s7+s5], $0x200, $0x38;
	[tilespmem:$0x1F800] =	vst v63  }
0x14: {  	_ =	swait.ge [sflag:s23], $0x200  }
0x15: {  	[sflag:s23] =	ssyncset.done $0x0  }
0x16: {  	[sflag:s23] =	ssyncadd.s32 $0xFFFFFE00  }
0x17: {  	[tilespmem:s15], [sflag:$0x4] =	stream.indirect.gather [hbm4b:s1+s14], $0x80, s5, s14, $0xb8;
	[tilespmem:$0x1F800] =	vst v63  }
0x18: {  	s24 =	simm.s32 $0x100;
	s8 =	simm.s32 $0xCC00  }
0x19: {  	[tilespmem:s8], [sflag:$0x4] =	stream.indirect.gather [hbm4b:s1+s14], $0x80, s24, s14, $0xb8;
	[tilespmem:$0x1F800] =	vst v63  }
0x1a: {  	s10 =	simm.s32 $0x80;
	s13 =	simm.s32 $0x9A00  }
0x1b: {  	[tilespmem:s13], [sflag:$0x6] =	stream.indirect.gather [hbm4b:s1+s14], $0x80, s10, s14, $0xb8;
	[tilespmem:$0x1F800] =	vst v63  }
0x1c: {  	s23 =	simm.s32 $0x180;
	s24 =	simm.s32 $0xFE00  }
0x1d: {  	[tilespmem:s24], [sflag:$0x6] =	stream.indirect.gather [hbm4b:s1+s14], $0x80, s23, s14, $0xb8;
	[tilespmem:$0x1F800] =	vst v63  }
0x1e: {  	s10 =	rddreg [dreg:$0x6]  }
0x1f: {  	[tilespmem:s22], [sflag:$0x3] =	stream.linear.gather [hbm4b:s10+s5], $0x200, $0x38;
	[tilespmem:$0x1F800] =	vst v63  }
0x20: {  	s13 =	rddreg [dreg:$0x2];
	s23 =	simm.s32 $0x400;
	s24 =	simm.s32 $0x1  }
0x21: {  	[tilespmem:s23], [sflag:$0x1] =	stream.linear.gather [hbm4b:s13+s5], $0x6400, $0x38;
	[tilespmem:$0x1F800] =	vst v63  }
0x22: {  	_ =	swait.ge [sflag:s24], $0x6400  }
0x23: {  	[sflag:s24] =	ssyncset.done $0x0  }
0x24: {  	s23 =	simm.s32 $0x0;
	[sflag:s24] =	ssyncadd.s32 $0xFFFF9C00  }
.LBB2_2:
0x25: {  	p0 =	seq.s32 s23, $0x0  }
0x26: {  	s7 =	simm.s32 @!p0 $0x9  }
0x27: {  	_ =	swait.ge @!p0 [sflag:s7], $0xC800  }
0x28: {  	[sflag:s7] =	ssyncset.done @!p0 $0x0  }
0x29: {  	[sflag:s7] =	ssyncadd.s32 @!p0 $0xFFFF3800  }
0x2a: {  	_ =	swait.ge [sflag:s25], $0x200  }
0x2b: {  	[sflag:s25] =	ssyncset.done $0x0  }
0x2c: {  	[sflag:s25] =	ssyncadd.s32 $0xFFFFFE00  }
0x2d: {  	[tilespmem:s26], [sflag:$0x5] =	stream.indirect.gather [hbm4b:s1+s14], $0x80, s22, s14, $0xb8;
	[tilespmem:$0x1F800] =	vst v63  }
0x2e: {  	_ = 	snop  }
0x2f: {  	[tilespmem:s29], [sflag:$0x5] =	stream.indirect.gather [hbm4b:s1+s14], $0x80, s28, s14, $0xb8;
	[tilespmem:$0x1F800] =	vst v63  }
0x30: {  	_ = 	snop  }
0x31: {  	[tilespmem:s31], [sflag:$0x7] =	stream.indirect.gather [hbm4b:s1+s14], $0x80, s30, s14, $0xb8;
	[tilespmem:$0x1F800] =	vst v63  }
0x32: {  	_ = 	snop  }
0x33: {  	[tilespmem:s2], [sflag:$0x7] =	stream.indirect.gather [hbm4b:s1+s14], $0x80, s0, s14, $0xb8;
	[tilespmem:$0x1F800] =	vst v63  }
0x34: {  	_ =	swait.ge [sflag:s3], $0x6400  }
0x35: {  	[sflag:s3] =	ssyncset.done $0x0  }
0x36: {  	s7 =	simm.s32 $0x0;
	[sflag:s3] =	ssyncadd.s32 $0xFFFF9C00  }
0x37: {  	v0 =	vld [tilespmem:s7+$0x4F0]  }
0x38: {  	v1 =	vld [tilespmem:s7+$0x400]  }
0x39: {  	v2 =	vld [tilespmem:s7+$0x410]  }
0x3a: {  	v3 =	vld [tilespmem:s7+$0x420]  }
0x3b: {  	v4 =	vld [tilespmem:s7+$0x430]  }
0x3c: {  	v5 =	vld [tilespmem:s7+$0x440]  }
0x3d: {  	v6 =	vld [tilespmem:s7+$0x450]  }
0x3e: {  	v7 =	vld [tilespmem:s7+$0x460]  }
0x3f: {  	v8 =	vld [tilespmem:s7+$0x470]  }
0x40: {  	v9 =	vld [tilespmem:s7+$0x480]  }
0x41: {  	v10 =	vld [tilespmem:s7+$0x490]  }
0x42: {  	v11 =	vld [tilespmem:s7+$0x4A0]  }
0x43: {  	v12 =	vld [tilespmem:s7+$0x4B0]  }
0x44: {  	v13 =	vld [tilespmem:s7+$0x4C0]  }
0x45: {  	v14 =	vld [tilespmem:s7+$0x4D0]  }
0x46: {  	v15 =	vld [tilespmem:s7+$0x4E0]  }
0x47: {  	[tilespmem:s7+$0xCCF0] =	vst.add.f32.msk $0xffff, v0  }
0x48: {  	[tilespmem:s7+$0x6800] =	vst.add.f32.msk $0xffff, v1  }
0x49: {  	[tilespmem:s7+$0xCC00] =	vst.add.f32.msk $0xffff, v1  }
0x4a: {  	[tilespmem:s7+$0x6810] =	vst.add.f32.msk $0xffff, v2  }
0x4b: {  	[tilespmem:s7+$0xCC10] =	vst.add.f32.msk $0xffff, v2  }
0x4c: {  	[tilespmem:s7+$0x6820] =	vst.add.f32.msk $0xffff, v3  }
0x4d: {  	[tilespmem:s7+$0xCC20] =	vst.add.f32.msk $0xffff, v3  }
0x4e: {  	[tilespmem:s7+$0x6830] =	vst.add.f32.msk $0xffff, v4  }
0x4f: {  	[tilespmem:s7+$0xCC30] =	vst.add.f32.msk $0xffff, v4  }
0x50: {  	[tilespmem:s7+$0x6840] =	vst.add.f32.msk $0xffff, v5  }
0x51: {  	[tilespmem:s7+$0xCC40] =	vst.add.f32.msk $0xffff, v5  }
0x52: {  	[tilespmem:s7+$0x6850] =	vst.add.f32.msk $0xffff, v6  }
0x53: {  	[tilespmem:s7+$0xCC50] =	vst.add.f32.msk $0xffff, v6  }
0x54: {  	[tilespmem:s7+$0x6860] =	vst.add.f32.msk $0xffff, v7  }
0x55: {  	[tilespmem:s7+$0xCC60] =	vst.add.f32.msk $0xffff, v7  }
0x56: {  	[tilespmem:s7+$0x6870] =	vst.add.f32.msk $0xffff, v8  }
0x57: {  	[tilespmem:s7+$0xCC70] =	vst.add.f32.msk $0xffff, v8  }
0x58: {  	[tilespmem:s7+$0x6880] =	vst.add.f32.msk $0xffff, v9  }
0x59: {  	[tilespmem:s7+$0xCC80] =	vst.add.f32.msk $0xffff, v9  }
0x5a: {  	[tilespmem:s7+$0x6890] =	vst.add.f32.msk $0xffff, v10  }
0x5b: {  	[tilespmem:s7+$0xCC90] =	vst.add.f32.msk $0xffff, v10  }
0x5c: {  	[tilespmem:s7+$0x68A0] =	vst.add.f32.msk $0xffff, v11  }
0x5d: {  	[tilespmem:s7+$0xCCA0] =	vst.add.f32.msk $0xffff, v11  }
0x5e: {  	[tilespmem:s7+$0x68B0] =	vst.add.f32.msk $0xffff, v12  }
0x5f: {  	[tilespmem:s7+$0xCCB0] =	vst.add.f32.msk $0xffff, v12  }
0x60: {  	[tilespmem:s7+$0x68C0] =	vst.add.f32.msk $0xffff, v13  }
0x61: {  	[tilespmem:s7+$0xCCC0] =	vst.add.f32.msk $0xffff, v13  }
0x62: {  	[tilespmem:s7+$0x68D0] =	vst.add.f32.msk $0xffff, v14  }
0x63: {  	[tilespmem:s7+$0xCCD0] =	vst.add.f32.msk $0xffff, v14  }
0x64: {  	[tilespmem:s7+$0x68E0] =	vst.add.f32.msk $0xffff, v15  }
0x65: {  	s8 =	simm.s32 $0x0;
	s10 =	simm.s32 $0x400;
	[tilespmem:s7+$0xCCE0] =	vst.add.f32.msk $0xffff, v15  }
.LBB2_3:
0x66: {  	s8 =	sadd.s32 $0x2, s8;
	[tilespmem:s7+$0x68F0] =	vst.add.f32.msk $0xffff, v0;
	s7 =	sshra.s32 s10, $0x2  }
0x67: {  	v0 =	vld [tilespmem:s7+$0x4F0];
	p0 =	slt.u32 s8, $0x62  }
0x68: {  	v1 =	vld [tilespmem:s7+$0x400]  }
0x69: {  	v2 =	vld [tilespmem:s7+$0x410]  }
0x6a: {  	v3 =	vld [tilespmem:s7+$0x420]  }
0x6b: {  	v4 =	vld [tilespmem:s7+$0x430]  }
0x6c: {  	[tilespmem:s7+$0xCCF0] =	vst.add.f32.msk $0xffff, v0  }
0x6d: {  	v5 =	vld [tilespmem:s7+$0x440]  }
0x6e: {  	v6 =	vld [tilespmem:s7+$0x450]  }
0x6f: {  	v7 =	vld [tilespmem:s7+$0x460]  }
0x70: {  	v8 =	vld [tilespmem:s7+$0x470]  }
0x71: {  	v9 =	vld [tilespmem:s7+$0x480]  }
0x72: {  	v10 =	vld [tilespmem:s7+$0x490]  }
0x73: {  	v11 =	vld [tilespmem:s7+$0x4A0]  }
0x74: {  	v12 =	vld [tilespmem:s7+$0x4B0]  }
0x75: {  	v13 =	vld [tilespmem:s7+$0x4C0]  }
0x76: {  	v14 =	vld [tilespmem:s7+$0x4D0]  }
0x77: {  	v15 =	vld [tilespmem:s7+$0x4E0]  }
0x78: {  	[tilespmem:s7+$0x6800] =	vst.add.f32.msk $0xffff, v1  }
0x79: {  	[tilespmem:s7+$0xCC00] =	vst.add.f32.msk $0xffff, v1  }
0x7a: {  	[tilespmem:s7+$0x6810] =	vst.add.f32.msk $0xffff, v2  }
0x7b: {  	[tilespmem:s7+$0xCC10] =	vst.add.f32.msk $0xffff, v2  }
0x7c: {  	[tilespmem:s7+$0x6820] =	vst.add.f32.msk $0xffff, v3  }
0x7d: {  	[tilespmem:s7+$0xCC20] =	vst.add.f32.msk $0xffff, v3  }
0x7e: {  	[tilespmem:s7+$0x6830] =	vst.add.f32.msk $0xffff, v4  }
0x7f: {  	[tilespmem:s7+$0xCC30] =	vst.add.f32.msk $0xffff, v4  }
0x80: {  	[tilespmem:s7+$0x6840] =	vst.add.f32.msk $0xffff, v5  }
0x81: {  	[tilespmem:s7+$0xCC40] =	vst.add.f32.msk $0xffff, v5  }
0x82: {  	[tilespmem:s7+$0x6850] =	vst.add.f32.msk $0xffff, v6  }
0x83: {  	[tilespmem:s7+$0xCC50] =	vst.add.f32.msk $0xffff, v6  }
0x84: {  	[tilespmem:s7+$0x6860] =	vst.add.f32.msk $0xffff, v7  }
0x85: {  	[tilespmem:s7+$0xCC60] =	vst.add.f32.msk $0xffff, v7  }
0x86: {  	[tilespmem:s7+$0x6870] =	vst.add.f32.msk $0xffff, v8  }
0x87: {  	[tilespmem:s7+$0xCC70] =	vst.add.f32.msk $0xffff, v8  }
0x88: {  	[tilespmem:s7+$0x6880] =	vst.add.f32.msk $0xffff, v9  }
0x89: {  	[tilespmem:s7+$0xCC80] =	vst.add.f32.msk $0xffff, v9  }
0x8a: {  	[tilespmem:s7+$0x6890] =	vst.add.f32.msk $0xffff, v10  }
0x8b: {  	[tilespmem:s7+$0xCC90] =	vst.add.f32.msk $0xffff, v10  }
0x8c: {  	[tilespmem:s7+$0x68A0] =	vst.add.f32.msk $0xffff, v11  }
0x8d: {  	[tilespmem:s7+$0xCCA0] =	vst.add.f32.msk $0xffff, v11  }
0x8e: {  	[tilespmem:s7+$0x68B0] =	vst.add.f32.msk $0xffff, v12  }
0x8f: {  	[tilespmem:s7+$0xCCB0] =	vst.add.f32.msk $0xffff, v12  }
0x90: {  	[tilespmem:s7+$0x68C0] =	vst.add.f32.msk $0xffff, v13  }
.Ltmp0:
0x91: {  	[tilespmem:s7+$0xCCC0] =	vst.add.f32.msk $0xffff, v13;
	(pc) =	sbr.rel @p0 .LBB2_3-.Ltmp0, $4  }
0x92: {  	[tilespmem:s7+$0x68D0] =	vst.add.f32.msk $0xffff, v14  }
0x93: {  	[tilespmem:s7+$0xCCD0] =	vst.add.f32.msk $0xffff, v14  }
0x94: {  	[tilespmem:s7+$0x68E0] =	vst.add.f32.msk $0xffff, v15  }
0x95: {  	s10 =	sadd.s32 $0x400, s10;
	[tilespmem:s7+$0xCCE0] =	vst.add.f32.msk $0xffff, v15  }
0x96: {  	[tilespmem:s7+$0x68F0] =	vst.add.f32.msk $0xffff, v0  }
0x97: {  	p0 =	seq.s32 s23, $0x7;
	_ =	swait.ge [sflag:s16], $0x6400  }
0x98: {  	s7 =	sshll.u32 @!p0 s23, $0x7;
	[sflag:s16] =	ssyncset.done $0x0  }
0x99: {  	s10 =	simm.s32 @!p0 $0x0;
	s8 =	sadd.s32 @!p0 s11, s7;
	[sflag:s16] =	ssyncadd.s32 $0xFFFF9C00  }
0x9a: {  	[tilespmem:s10], [sflag:$0x2] =	stream.linear.gather @!p0 [hbm4b:s8+s10], $0x200, $0x38;
	[tilespmem:$0x1F800] =	vst v63  }
0x9b: {  	s10 =	simm.s32 $0x0  }
0x9c: {  	v0 =	vld [tilespmem:s10+$0x36F0]  }
0x9d: {  	v1 =	vld [tilespmem:s10+$0x3600]  }
0x9e: {  	v2 =	vld [tilespmem:s10+$0x3610]  }
0x9f: {  	v3 =	vld [tilespmem:s10+$0x3620]  }
0xa0: {  	v4 =	vld [tilespmem:s10+$0x3630]  }
0xa1: {  	v5 =	vld [tilespmem:s10+$0x3640]  }
0xa2: {  	v6 =	vld [tilespmem:s10+$0x3650]  }
0xa3: {  	v7 =	vld [tilespmem:s10+$0x3660]  }
0xa4: {  	v8 =	vld [tilespmem:s10+$0x3670]  }
0xa5: {  	v9 =	vld [tilespmem:s10+$0x3680]  }
0xa6: {  	v10 =	vld [tilespmem:s10+$0x3690]  }
0xa7: {  	v11 =	vld [tilespmem:s10+$0x36A0]  }
0xa8: {  	v12 =	vld [tilespmem:s10+$0x36B0]  }
0xa9: {  	v13 =	vld [tilespmem:s10+$0x36C0]  }
0xaa: {  	v14 =	vld [tilespmem:s10+$0x36D0]  }
0xab: {  	v15 =	vld [tilespmem:s10+$0x36E0]  }
0xac: {  	[tilespmem:s10+$0xFEF0] =	vst.add.f32.msk $0xffff, v0  }
0xad: {  	[tilespmem:s10+$0x9A00] =	vst.add.f32.msk $0xffff, v1  }
0xae: {  	[tilespmem:s10+$0xFE00] =	vst.add.f32.msk $0xffff, v1  }
0xaf: {  	[tilespmem:s10+$0x9A10] =	vst.add.f32.msk $0xffff, v2  }
0xb0: {  	[tilespmem:s10+$0xFE10] =	vst.add.f32.msk $0xffff, v2  }
0xb1: {  	[tilespmem:s10+$0x9A20] =	vst.add.f32.msk $0xffff, v3  }
0xb2: {  	[tilespmem:s10+$0xFE20] =	vst.add.f32.msk $0xffff, v3  }
0xb3: {  	[tilespmem:s10+$0x9A30] =	vst.add.f32.msk $0xffff, v4  }
0xb4: {  	[tilespmem:s10+$0xFE30] =	vst.add.f32.msk $0xffff, v4  }
0xb5: {  	[tilespmem:s10+$0x9A40] =	vst.add.f32.msk $0xffff, v5  }
0xb6: {  	[tilespmem:s10+$0xFE40] =	vst.add.f32.msk $0xffff, v5  }
0xb7: {  	[tilespmem:s10+$0x9A50] =	vst.add.f32.msk $0xffff, v6  }
0xb8: {  	[tilespmem:s10+$0xFE50] =	vst.add.f32.msk $0xffff, v6  }
0xb9: {  	[tilespmem:s10+$0x9A60] =	vst.add.f32.msk $0xffff, v7  }
0xba: {  	[tilespmem:s10+$0xFE60] =	vst.add.f32.msk $0xffff, v7  }
0xbb: {  	[tilespmem:s10+$0x9A70] =	vst.add.f32.msk $0xffff, v8  }
0xbc: {  	[tilespmem:s10+$0xFE70] =	vst.add.f32.msk $0xffff, v8  }
0xbd: {  	[tilespmem:s10+$0x9A80] =	vst.add.f32.msk $0xffff, v9  }
0xbe: {  	[tilespmem:s10+$0xFE80] =	vst.add.f32.msk $0xffff, v9  }
0xbf: {  	[tilespmem:s10+$0x9A90] =	vst.add.f32.msk $0xffff, v10  }
0xc0: {  	[tilespmem:s10+$0xFE90] =	vst.add.f32.msk $0xffff, v10  }
0xc1: {  	[tilespmem:s10+$0x9AA0] =	vst.add.f32.msk $0xffff, v11  }
0xc2: {  	[tilespmem:s10+$0xFEA0] =	vst.add.f32.msk $0xffff, v11  }
0xc3: {  	[tilespmem:s10+$0x9AB0] =	vst.add.f32.msk $0xffff, v12  }
0xc4: {  	[tilespmem:s10+$0xFEB0] =	vst.add.f32.msk $0xffff, v12  }
0xc5: {  	[tilespmem:s10+$0x9AC0] =	vst.add.f32.msk $0xffff, v13  }
0xc6: {  	[tilespmem:s10+$0xFEC0] =	vst.add.f32.msk $0xffff, v13  }
0xc7: {  	[tilespmem:s10+$0x9AD0] =	vst.add.f32.msk $0xffff, v14  }
0xc8: {  	[tilespmem:s10+$0xFED0] =	vst.add.f32.msk $0xffff, v14  }
0xc9: {  	[tilespmem:s10+$0x9AE0] =	vst.add.f32.msk $0xffff, v15  }
0xca: {  	s13 =	simm.s32 $0x400;
	s8 =	simm.s32 $0x64;
	[tilespmem:s10+$0xFEE0] =	vst.add.f32.msk $0xffff, v15  }
.LBB2_5:
0xcb: {  	s8 =	sadd.s32 $0x2, s8;
	[tilespmem:s10+$0x9AF0] =	vst.add.f32.msk $0xffff, v0;
	s10 =	sshra.s32 s13, $0x2  }
0xcc: {  	v0 =	vld [tilespmem:s10+$0x36F0];
	p1 =	slt.u32 s8, $0xC6  }
0xcd: {  	v1 =	vld [tilespmem:s10+$0x3600]  }
0xce: {  	v2 =	vld [tilespmem:s10+$0x3610]  }
0xcf: {  	v3 =	vld [tilespmem:s10+$0x3620]  }
0xd0: {  	v4 =	vld [tilespmem:s10+$0x3630]  }
0xd1: {  	[tilespmem:s10+$0xFEF0] =	vst.add.f32.msk $0xffff, v0  }
0xd2: {  	v5 =	vld [tilespmem:s10+$0x3640]  }
0xd3: {  	v6 =	vld [tilespmem:s10+$0x3650]  }
0xd4: {  	v7 =	vld [tilespmem:s10+$0x3660]  }
0xd5: {  	v8 =	vld [tilespmem:s10+$0x3670]  }
0xd6: {  	v9 =	vld [tilespmem:s10+$0x3680]  }
0xd7: {  	v10 =	vld [tilespmem:s10+$0x3690]  }
0xd8: {  	v11 =	vld [tilespmem:s10+$0x36A0]  }
0xd9: {  	v12 =	vld [tilespmem:s10+$0x36B0]  }
0xda: {  	v13 =	vld [tilespmem:s10+$0x36C0]  }
0xdb: {  	v14 =	vld [tilespmem:s10+$0x36D0]  }
0xdc: {  	v15 =	vld [tilespmem:s10+$0x36E0]  }
0xdd: {  	[tilespmem:s10+$0x9A00] =	vst.add.f32.msk $0xffff, v1  }
0xde: {  	[tilespmem:s10+$0xFE00] =	vst.add.f32.msk $0xffff, v1  }
0xdf: {  	[tilespmem:s10+$0x9A10] =	vst.add.f32.msk $0xffff, v2  }
0xe0: {  	[tilespmem:s10+$0xFE10] =	vst.add.f32.msk $0xffff, v2  }
0xe1: {  	[tilespmem:s10+$0x9A20] =	vst.add.f32.msk $0xffff, v3  }
0xe2: {  	[tilespmem:s10+$0xFE20] =	vst.add.f32.msk $0xffff, v3  }
0xe3: {  	[tilespmem:s10+$0x9A30] =	vst.add.f32.msk $0xffff, v4  }
0xe4: {  	[tilespmem:s10+$0xFE30] =	vst.add.f32.msk $0xffff, v4  }
0xe5: {  	[tilespmem:s10+$0x9A40] =	vst.add.f32.msk $0xffff, v5  }
0xe6: {  	[tilespmem:s10+$0xFE40] =	vst.add.f32.msk $0xffff, v5  }
0xe7: {  	[tilespmem:s10+$0x9A50] =	vst.add.f32.msk $0xffff, v6  }
0xe8: {  	[tilespmem:s10+$0xFE50] =	vst.add.f32.msk $0xffff, v6  }
0xe9: {  	[tilespmem:s10+$0x9A60] =	vst.add.f32.msk $0xffff, v7  }
0xea: {  	[tilespmem:s10+$0xFE60] =	vst.add.f32.msk $0xffff, v7  }
0xeb: {  	[tilespmem:s10+$0x9A70] =	vst.add.f32.msk $0xffff, v8  }
0xec: {  	[tilespmem:s10+$0xFE70] =	vst.add.f32.msk $0xffff, v8  }
0xed: {  	[tilespmem:s10+$0x9A80] =	vst.add.f32.msk $0xffff, v9  }
0xee: {  	[tilespmem:s10+$0xFE80] =	vst.add.f32.msk $0xffff, v9  }
0xef: {  	[tilespmem:s10+$0x9A90] =	vst.add.f32.msk $0xffff, v10  }
0xf0: {  	[tilespmem:s10+$0xFE90] =	vst.add.f32.msk $0xffff, v10  }
0xf1: {  	[tilespmem:s10+$0x9AA0] =	vst.add.f32.msk $0xffff, v11  }
0xf2: {  	[tilespmem:s10+$0xFEA0] =	vst.add.f32.msk $0xffff, v11  }
0xf3: {  	[tilespmem:s10+$0x9AB0] =	vst.add.f32.msk $0xffff, v12  }
0xf4: {  	[tilespmem:s10+$0xFEB0] =	vst.add.f32.msk $0xffff, v12  }
0xf5: {  	[tilespmem:s10+$0x9AC0] =	vst.add.f32.msk $0xffff, v13  }
.Ltmp1:
0xf6: {  	[tilespmem:s10+$0xFEC0] =	vst.add.f32.msk $0xffff, v13;
	(pc) =	sbr.rel @p1 .LBB2_5-.Ltmp1, $4  }
0xf7: {  	[tilespmem:s10+$0x9AD0] =	vst.add.f32.msk $0xffff, v14  }
0xf8: {  	[tilespmem:s10+$0xFED0] =	vst.add.f32.msk $0xffff, v14  }
0xf9: {  	[tilespmem:s10+$0x9AE0] =	vst.add.f32.msk $0xffff, v15  }
0xfa: {  	s13 =	sadd.s32 $0x400, s13;
	[tilespmem:s10+$0xFEE0] =	vst.add.f32.msk $0xffff, v15  }
0xfb: {  	s8 =	smul.u32 $0x320, s23;
	_ =	sdelay $0x1  }
0xfc: {  	s13 =	sadd.s32 s6, s8  }
0xfd: {  	s13 =	sshll.u32 s13, $0x4  }
0xfe: {  	[tilespmem:s10+$0x9AF0] =	vst.add.f32.msk $0xffff, v0;
	s10 =	simm.s32 @!p0 $0x8;
	s24 =	sadd.s32 s4, s13  }
0xff: {  	[hbm4b:s24+s5] =	stream.linear.scatter [tilespmem:s15], [sflag:$0x8], $0xC800, $0x38;
	[tilespmem:$0x1F800] =	vst v63  }
0x100: {  	_ =	swait.ge @!p0 [sflag:s10], $0xC800  }
0x101: {  	[sflag:s10] =	ssyncset.done @!p0 $0x0  }
0x102: {  	[sflag:s10] =	ssyncadd.s32 @!p0 $0xFFFF3800;
	s10 =	simm.s32 @!p0 $0x2  }
0x103: {  	_ =	swait.ge @!p0 [sflag:s10], $0x200  }
0x104: {  	s13 =	simm.s32 @!p0 $0x0;
	[sflag:s10] =	ssyncset.done @!p0 $0x0  }
0x105: {  	s24 =	simm.s32 @!p0 $0x6800;
	[sflag:s10] =	ssyncadd.s32 @!p0 $0xFFFFFE00;
	s10 =	simm.s32 @!p0 $0x64  }
0x106: {  	[tilespmem:s24], [sflag:$0x4] =	stream.indirect.gather @!p0 [hbm4b:s1+s10], $0x80, s13, s10, $0xb8;
	[tilespmem:$0x1F800] =	vst v63  }
0x107: {  	s13 =	simm.s32 @!p0 $0x100;
	s24 =	simm.s32 @!p0 $0xCC00  }
0x108: {  	[tilespmem:s24], [sflag:$0x4] =	stream.indirect.gather @!p0 [hbm4b:s1+s10], $0x80, s13, s10, $0xb8;
	[tilespmem:$0x1F800] =	vst v63  }
0x109: {  	s13 =	simm.s32 @!p0 $0x80;
	s24 =	simm.s32 @!p0 $0x9A00  }
0x10a: {  	[tilespmem:s24], [sflag:$0x6] =	stream.indirect.gather @!p0 [hbm4b:s1+s10], $0x80, s13, s10, $0xb8;
	[tilespmem:$0x1F800] =	vst v63  }
0x10b: {  	s13 =	simm.s32 @!p0 $0x180;
	s24 =	simm.s32 @!p0 $0xFE00  }
0x10c: {  	[tilespmem:s24], [sflag:$0x6] =	stream.indirect.gather @!p0 [hbm4b:s1+s10], $0x80, s13, s10, $0xb8;
	[tilespmem:$0x1F800] =	vst v63  }
0x10d: {  	_ =	swait.ge [sflag:s17], $0x6400  }
0x10e: {  	[sflag:s17] =	ssyncset.done $0x0  }
0x10f: {  	s10 =	simm.s32 $0x0;
	[sflag:s17] =	ssyncadd.s32 $0xFFFF9C00  }
0x110: {  	v0 =	vld [tilespmem:s10+$0x4F0]  }
0x111: {  	v1 =	vld [tilespmem:s10+$0x400]  }
0x112: {  	v2 =	vld [tilespmem:s10+$0x410]  }
0x113: {  	v3 =	vld [tilespmem:s10+$0x420]  }
0x114: {  	v4 =	vld [tilespmem:s10+$0x430]  }
0x115: {  	v5 =	vld [tilespmem:s10+$0x440]  }
0x116: {  	v6 =	vld [tilespmem:s10+$0x450]  }
0x117: {  	v7 =	vld [tilespmem:s10+$0x460]  }
0x118: {  	v8 =	vld [tilespmem:s10+$0x470]  }
0x119: {  	v9 =	vld [tilespmem:s10+$0x480]  }
0x11a: {  	v10 =	vld [tilespmem:s10+$0x490]  }
0x11b: {  	v11 =	vld [tilespmem:s10+$0x4A0]  }
0x11c: {  	v12 =	vld [tilespmem:s10+$0x4B0]  }
0x11d: {  	v13 =	vld [tilespmem:s10+$0x4C0]  }
0x11e: {  	v14 =	vld [tilespmem:s10+$0x4D0]  }
0x11f: {  	v15 =	vld [tilespmem:s10+$0x4E0]  }
0x120: {  	[tilespmem:s10+$0x194F0] =	vst.add.f32.msk $0xffff, v0  }
0x121: {  	[tilespmem:s10+$0x13000] =	vst.add.f32.msk $0xffff, v1  }
0x122: {  	[tilespmem:s10+$0x19400] =	vst.add.f32.msk $0xffff, v1  }
0x123: {  	[tilespmem:s10+$0x13010] =	vst.add.f32.msk $0xffff, v2  }
0x124: {  	[tilespmem:s10+$0x19410] =	vst.add.f32.msk $0xffff, v2  }
0x125: {  	[tilespmem:s10+$0x13020] =	vst.add.f32.msk $0xffff, v3  }
0x126: {  	[tilespmem:s10+$0x19420] =	vst.add.f32.msk $0xffff, v3  }
0x127: {  	[tilespmem:s10+$0x13030] =	vst.add.f32.msk $0xffff, v4  }
0x128: {  	[tilespmem:s10+$0x19430] =	vst.add.f32.msk $0xffff, v4  }
0x129: {  	[tilespmem:s10+$0x13040] =	vst.add.f32.msk $0xffff, v5  }
0x12a: {  	[tilespmem:s10+$0x19440] =	vst.add.f32.msk $0xffff, v5  }
0x12b: {  	[tilespmem:s10+$0x13050] =	vst.add.f32.msk $0xffff, v6  }
0x12c: {  	[tilespmem:s10+$0x19450] =	vst.add.f32.msk $0xffff, v6  }
0x12d: {  	[tilespmem:s10+$0x13060] =	vst.add.f32.msk $0xffff, v7  }
0x12e: {  	[tilespmem:s10+$0x19460] =	vst.add.f32.msk $0xffff, v7  }
0x12f: {  	[tilespmem:s10+$0x13070] =	vst.add.f32.msk $0xffff, v8  }
0x130: {  	[tilespmem:s10+$0x19470] =	vst.add.f32.msk $0xffff, v8  }
0x131: {  	[tilespmem:s10+$0x13080] =	vst.add.f32.msk $0xffff, v9  }
0x132: {  	[tilespmem:s10+$0x19480] =	vst.add.f32.msk $0xffff, v9  }
0x133: {  	[tilespmem:s10+$0x13090] =	vst.add.f32.msk $0xffff, v10  }
0x134: {  	[tilespmem:s10+$0x19490] =	vst.add.f32.msk $0xffff, v10  }
0x135: {  	[tilespmem:s10+$0x130A0] =	vst.add.f32.msk $0xffff, v11  }
0x136: {  	[tilespmem:s10+$0x194A0] =	vst.add.f32.msk $0xffff, v11  }
0x137: {  	[tilespmem:s10+$0x130B0] =	vst.add.f32.msk $0xffff, v12  }
0x138: {  	[tilespmem:s10+$0x194B0] =	vst.add.f32.msk $0xffff, v12  }
0x139: {  	[tilespmem:s10+$0x130C0] =	vst.add.f32.msk $0xffff, v13  }
0x13a: {  	[tilespmem:s10+$0x194C0] =	vst.add.f32.msk $0xffff, v13  }
0x13b: {  	[tilespmem:s10+$0x130D0] =	vst.add.f32.msk $0xffff, v14  }
0x13c: {  	[tilespmem:s10+$0x194D0] =	vst.add.f32.msk $0xffff, v14  }
0x13d: {  	[tilespmem:s10+$0x130E0] =	vst.add.f32.msk $0xffff, v15  }
0x13e: {  	s13 =	simm.s32 $0x0;
	s24 =	simm.s32 $0x400;
	[tilespmem:s10+$0x194E0] =	vst.add.f32.msk $0xffff, v15  }
.LBB2_7:
0x13f: {  	s13 =	sadd.s32 $0x2, s13;
	[tilespmem:s10+$0x130F0] =	vst.add.f32.msk $0xffff, v0;
	s10 =	sshra.s32 s24, $0x2  }
0x140: {  	v0 =	vld [tilespmem:s10+$0x4F0];
	p1 =	slt.u32 s13, $0x62  }
0x141: {  	v1 =	vld [tilespmem:s10+$0x400]  }
0x142: {  	v2 =	vld [tilespmem:s10+$0x410]  }
0x143: {  	v3 =	vld [tilespmem:s10+$0x420]  }
0x144: {  	v4 =	vld [tilespmem:s10+$0x430]  }
0x145: {  	[tilespmem:s10+$0x194F0] =	vst.add.f32.msk $0xffff, v0  }
0x146: {  	v5 =	vld [tilespmem:s10+$0x440]  }
0x147: {  	v6 =	vld [tilespmem:s10+$0x450]  }
0x148: {  	v7 =	vld [tilespmem:s10+$0x460]  }
0x149: {  	v8 =	vld [tilespmem:s10+$0x470]  }
0x14a: {  	v9 =	vld [tilespmem:s10+$0x480]  }
0x14b: {  	v10 =	vld [tilespmem:s10+$0x490]  }
0x14c: {  	v11 =	vld [tilespmem:s10+$0x4A0]  }
0x14d: {  	v12 =	vld [tilespmem:s10+$0x4B0]  }
0x14e: {  	v13 =	vld [tilespmem:s10+$0x4C0]  }
0x14f: {  	v14 =	vld [tilespmem:s10+$0x4D0]  }
0x150: {  	v15 =	vld [tilespmem:s10+$0x4E0]  }
0x151: {  	[tilespmem:s10+$0x13000] =	vst.add.f32.msk $0xffff, v1  }
0x152: {  	[tilespmem:s10+$0x19400] =	vst.add.f32.msk $0xffff, v1  }
0x153: {  	[tilespmem:s10+$0x13010] =	vst.add.f32.msk $0xffff, v2  }
0x154: {  	[tilespmem:s10+$0x19410] =	vst.add.f32.msk $0xffff, v2  }
0x155: {  	[tilespmem:s10+$0x13020] =	vst.add.f32.msk $0xffff, v3  }
0x156: {  	[tilespmem:s10+$0x19420] =	vst.add.f32.msk $0xffff, v3  }
0x157: {  	[tilespmem:s10+$0x13030] =	vst.add.f32.msk $0xffff, v4  }
0x158: {  	[tilespmem:s10+$0x19430] =	vst.add.f32.msk $0xffff, v4  }
0x159: {  	[tilespmem:s10+$0x13040] =	vst.add.f32.msk $0xffff, v5  }
0x15a: {  	[tilespmem:s10+$0x19440] =	vst.add.f32.msk $0xffff, v5  }
0x15b: {  	[tilespmem:s10+$0x13050] =	vst.add.f32.msk $0xffff, v6  }
0x15c: {  	[tilespmem:s10+$0x19450] =	vst.add.f32.msk $0xffff, v6  }
0x15d: {  	[tilespmem:s10+$0x13060] =	vst.add.f32.msk $0xffff, v7  }
0x15e: {  	[tilespmem:s10+$0x19460] =	vst.add.f32.msk $0xffff, v7  }
0x15f: {  	[tilespmem:s10+$0x13070] =	vst.add.f32.msk $0xffff, v8  }
0x160: {  	[tilespmem:s10+$0x19470] =	vst.add.f32.msk $0xffff, v8  }
0x161: {  	[tilespmem:s10+$0x13080] =	vst.add.f32.msk $0xffff, v9  }
0x162: {  	[tilespmem:s10+$0x19480] =	vst.add.f32.msk $0xffff, v9  }
0x163: {  	[tilespmem:s10+$0x13090] =	vst.add.f32.msk $0xffff, v10  }
0x164: {  	[tilespmem:s10+$0x19490] =	vst.add.f32.msk $0xffff, v10  }
0x165: {  	[tilespmem:s10+$0x130A0] =	vst.add.f32.msk $0xffff, v11  }
0x166: {  	[tilespmem:s10+$0x194A0] =	vst.add.f32.msk $0xffff, v11  }
0x167: {  	[tilespmem:s10+$0x130B0] =	vst.add.f32.msk $0xffff, v12  }
0x168: {  	[tilespmem:s10+$0x194B0] =	vst.add.f32.msk $0xffff, v12  }
0x169: {  	[tilespmem:s10+$0x130C0] =	vst.add.f32.msk $0xffff, v13  }
.Ltmp2:
0x16a: {  	[tilespmem:s10+$0x194C0] =	vst.add.f32.msk $0xffff, v13;
	(pc) =	sbr.rel @p1 .LBB2_7-.Ltmp2, $4  }
0x16b: {  	[tilespmem:s10+$0x130D0] =	vst.add.f32.msk $0xffff, v14  }
0x16c: {  	[tilespmem:s10+$0x194D0] =	vst.add.f32.msk $0xffff, v14  }
0x16d: {  	[tilespmem:s10+$0x130E0] =	vst.add.f32.msk $0xffff, v15  }
0x16e: {  	s24 =	sadd.s32 $0x400, s24;
	[tilespmem:s10+$0x194E0] =	vst.add.f32.msk $0xffff, v15  }
0x16f: {  	[tilespmem:s10+$0x130F0] =	vst.add.f32.msk $0xffff, v0  }
0x170: {  	_ =	swait.ge [sflag:s18], $0x6400  }
0x171: {  	s7 =	sadd.s32 @!p0 s12, s7;
	[sflag:s18] =	ssyncset.done $0x0  }
0x172: {  	s10 =	simm.s32 @!p0 $0x0;
	s13 =	simm.s32 @!p0 $0x200;
	[sflag:s18] =	ssyncadd.s32 $0xFFFF9C00  }
0x173: {  	[tilespmem:s13], [sflag:$0x3] =	stream.linear.gather @!p0 [hbm4b:s7+s10], $0x200, $0x38;
	[tilespmem:$0x1F800] =	vst v63  }
0x174: {  	s7 =	simm.s32 $0x0  }
0x175: {  	v0 =	vld [tilespmem:s7+$0x36F0]  }
0x176: {  	v1 =	vld [tilespmem:s7+$0x3600]  }
0x177: {  	v2 =	vld [tilespmem:s7+$0x3610]  }
0x178: {  	v3 =	vld [tilespmem:s7+$0x3620]  }
0x179: {  	v4 =	vld [tilespmem:s7+$0x3630]  }
0x17a: {  	v5 =	vld [tilespmem:s7+$0x3640]  }
0x17b: {  	v6 =	vld [tilespmem:s7+$0x3650]  }
0x17c: {  	v7 =	vld [tilespmem:s7+$0x3660]  }
0x17d: {  	v8 =	vld [tilespmem:s7+$0x3670]  }
0x17e: {  	v9 =	vld [tilespmem:s7+$0x3680]  }
0x17f: {  	v10 =	vld [tilespmem:s7+$0x3690]  }
0x180: {  	v11 =	vld [tilespmem:s7+$0x36A0]  }
0x181: {  	v12 =	vld [tilespmem:s7+$0x36B0]  }
0x182: {  	v13 =	vld [tilespmem:s7+$0x36C0]  }
0x183: {  	v14 =	vld [tilespmem:s7+$0x36D0]  }
0x184: {  	v15 =	vld [tilespmem:s7+$0x36E0]  }
0x185: {  	[tilespmem:s7+$0x1C6F0] =	vst.add.f32.msk $0xffff, v0  }
0x186: {  	[tilespmem:s7+$0x16200] =	vst.add.f32.msk $0xffff, v1  }
0x187: {  	[tilespmem:s7+$0x1C600] =	vst.add.f32.msk $0xffff, v1  }
0x188: {  	[tilespmem:s7+$0x16210] =	vst.add.f32.msk $0xffff, v2  }
0x189: {  	[tilespmem:s7+$0x1C610] =	vst.add.f32.msk $0xffff, v2  }
0x18a: {  	[tilespmem:s7+$0x16220] =	vst.add.f32.msk $0xffff, v3  }
0x18b: {  	[tilespmem:s7+$0x1C620] =	vst.add.f32.msk $0xffff, v3  }
0x18c: {  	[tilespmem:s7+$0x16230] =	vst.add.f32.msk $0xffff, v4  }
0x18d: {  	[tilespmem:s7+$0x1C630] =	vst.add.f32.msk $0xffff, v4  }
0x18e: {  	[tilespmem:s7+$0x16240] =	vst.add.f32.msk $0xffff, v5  }
0x18f: {  	[tilespmem:s7+$0x1C640] =	vst.add.f32.msk $0xffff, v5  }
0x190: {  	[tilespmem:s7+$0x16250] =	vst.add.f32.msk $0xffff, v6  }
0x191: {  	[tilespmem:s7+$0x1C650] =	vst.add.f32.msk $0xffff, v6  }
0x192: {  	[tilespmem:s7+$0x16260] =	vst.add.f32.msk $0xffff, v7  }
0x193: {  	[tilespmem:s7+$0x1C660] =	vst.add.f32.msk $0xffff, v7  }
0x194: {  	[tilespmem:s7+$0x16270] =	vst.add.f32.msk $0xffff, v8  }
0x195: {  	[tilespmem:s7+$0x1C670] =	vst.add.f32.msk $0xffff, v8  }
0x196: {  	[tilespmem:s7+$0x16280] =	vst.add.f32.msk $0xffff, v9  }
0x197: {  	[tilespmem:s7+$0x1C680] =	vst.add.f32.msk $0xffff, v9  }
0x198: {  	[tilespmem:s7+$0x16290] =	vst.add.f32.msk $0xffff, v10  }
0x199: {  	[tilespmem:s7+$0x1C690] =	vst.add.f32.msk $0xffff, v10  }
0x19a: {  	[tilespmem:s7+$0x162A0] =	vst.add.f32.msk $0xffff, v11  }
0x19b: {  	[tilespmem:s7+$0x1C6A0] =	vst.add.f32.msk $0xffff, v11  }
0x19c: {  	[tilespmem:s7+$0x162B0] =	vst.add.f32.msk $0xffff, v12  }
0x19d: {  	[tilespmem:s7+$0x1C6B0] =	vst.add.f32.msk $0xffff, v12  }
0x19e: {  	[tilespmem:s7+$0x162C0] =	vst.add.f32.msk $0xffff, v13  }
0x19f: {  	[tilespmem:s7+$0x1C6C0] =	vst.add.f32.msk $0xffff, v13  }
0x1a0: {  	[tilespmem:s7+$0x162D0] =	vst.add.f32.msk $0xffff, v14  }
0x1a1: {  	[tilespmem:s7+$0x1C6D0] =	vst.add.f32.msk $0xffff, v14  }
0x1a2: {  	[tilespmem:s7+$0x162E0] =	vst.add.f32.msk $0xffff, v15  }
0x1a3: {  	s10 =	simm.s32 $0x64;
	s13 =	simm.s32 $0x400;
	[tilespmem:s7+$0x1C6E0] =	vst.add.f32.msk $0xffff, v15  }
.LBB2_9:
0x1a4: {  	s10 =	sadd.s32 $0x2, s10;
	[tilespmem:s7+$0x162F0] =	vst.add.f32.msk $0xffff, v0;
	s7 =	sshra.s32 s13, $0x2  }
0x1a5: {  	v0 =	vld [tilespmem:s7+$0x36F0];
	p0 =	slt.u32 s10, $0xC6  }
0x1a6: {  	v1 =	vld [tilespmem:s7+$0x3600]  }
0x1a7: {  	v2 =	vld [tilespmem:s7+$0x3610]  }
0x1a8: {  	v3 =	vld [tilespmem:s7+$0x3620]  }
0x1a9: {  	v4 =	vld [tilespmem:s7+$0x3630]  }
0x1aa: {  	[tilespmem:s7+$0x1C6F0] =	vst.add.f32.msk $0xffff, v0  }
0x1ab: {  	v5 =	vld [tilespmem:s7+$0x3640]  }
0x1ac: {  	v6 =	vld [tilespmem:s7+$0x3650]  }
0x1ad: {  	v7 =	vld [tilespmem:s7+$0x3660]  }
0x1ae: {  	v8 =	vld [tilespmem:s7+$0x3670]  }
0x1af: {  	v9 =	vld [tilespmem:s7+$0x3680]  }
0x1b0: {  	v10 =	vld [tilespmem:s7+$0x3690]  }
0x1b1: {  	v11 =	vld [tilespmem:s7+$0x36A0]  }
0x1b2: {  	v12 =	vld [tilespmem:s7+$0x36B0]  }
0x1b3: {  	v13 =	vld [tilespmem:s7+$0x36C0]  }
0x1b4: {  	v14 =	vld [tilespmem:s7+$0x36D0]  }
0x1b5: {  	v15 =	vld [tilespmem:s7+$0x36E0]  }
0x1b6: {  	[tilespmem:s7+$0x16200] =	vst.add.f32.msk $0xffff, v1  }
0x1b7: {  	[tilespmem:s7+$0x1C600] =	vst.add.f32.msk $0xffff, v1  }
0x1b8: {  	[tilespmem:s7+$0x16210] =	vst.add.f32.msk $0xffff, v2  }
0x1b9: {  	[tilespmem:s7+$0x1C610] =	vst.add.f32.msk $0xffff, v2  }
0x1ba: {  	[tilespmem:s7+$0x16220] =	vst.add.f32.msk $0xffff, v3  }
0x1bb: {  	[tilespmem:s7+$0x1C620] =	vst.add.f32.msk $0xffff, v3  }
0x1bc: {  	[tilespmem:s7+$0x16230] =	vst.add.f32.msk $0xffff, v4  }
0x1bd: {  	[tilespmem:s7+$0x1C630] =	vst.add.f32.msk $0xffff, v4  }
0x1be: {  	[tilespmem:s7+$0x16240] =	vst.add.f32.msk $0xffff, v5  }
0x1bf: {  	[tilespmem:s7+$0x1C640] =	vst.add.f32.msk $0xffff, v5  }
0x1c0: {  	[tilespmem:s7+$0x16250] =	vst.add.f32.msk $0xffff, v6  }
0x1c1: {  	[tilespmem:s7+$0x1C650] =	vst.add.f32.msk $0xffff, v6  }
0x1c2: {  	[tilespmem:s7+$0x16260] =	vst.add.f32.msk $0xffff, v7  }
0x1c3: {  	[tilespmem:s7+$0x1C660] =	vst.add.f32.msk $0xffff, v7  }
0x1c4: {  	[tilespmem:s7+$0x16270] =	vst.add.f32.msk $0xffff, v8  }
0x1c5: {  	[tilespmem:s7+$0x1C670] =	vst.add.f32.msk $0xffff, v8  }
0x1c6: {  	[tilespmem:s7+$0x16280] =	vst.add.f32.msk $0xffff, v9  }
0x1c7: {  	[tilespmem:s7+$0x1C680] =	vst.add.f32.msk $0xffff, v9  }
0x1c8: {  	[tilespmem:s7+$0x16290] =	vst.add.f32.msk $0xffff, v10  }
0x1c9: {  	[tilespmem:s7+$0x1C690] =	vst.add.f32.msk $0xffff, v10  }
0x1ca: {  	[tilespmem:s7+$0x162A0] =	vst.add.f32.msk $0xffff, v11  }
0x1cb: {  	[tilespmem:s7+$0x1C6A0] =	vst.add.f32.msk $0xffff, v11  }
0x1cc: {  	[tilespmem:s7+$0x162B0] =	vst.add.f32.msk $0xffff, v12  }
0x1cd: {  	[tilespmem:s7+$0x1C6B0] =	vst.add.f32.msk $0xffff, v12  }
0x1ce: {  	[tilespmem:s7+$0x162C0] =	vst.add.f32.msk $0xffff, v13  }
.Ltmp3:
0x1cf: {  	[tilespmem:s7+$0x1C6C0] =	vst.add.f32.msk $0xffff, v13;
	(pc) =	sbr.rel @p0 .LBB2_9-.Ltmp3, $4  }
0x1d0: {  	[tilespmem:s7+$0x162D0] =	vst.add.f32.msk $0xffff, v14  }
0x1d1: {  	[tilespmem:s7+$0x1C6D0] =	vst.add.f32.msk $0xffff, v14  }
0x1d2: {  	[tilespmem:s7+$0x162E0] =	vst.add.f32.msk $0xffff, v15  }
0x1d3: {  	s13 =	sadd.s32 $0x400, s13;
	[tilespmem:s7+$0x1C6E0] =	vst.add.f32.msk $0xffff, v15  }
0x1d4: {  	s23 =	sadd.s32 $0x1, s23  }
0x1d5: {  	p0 =	sne.s32 s23, $0x8  }
.Ltmp4:
0x1d6: {  	_ = 	snop;
	(pc) =	sbr.rel @p0 .LBB2_2-.Ltmp4, $4  }
0x1d7: {  	s8 =	sadd.s32 s8, s9  }
0x1d8: {  	s8 =	sshll.u32 s8, $0x4  }
0x1d9: {  	[tilespmem:s7+$0x162F0] =	vst.add.f32.msk $0xffff, v0;
	s24 =	sadd.s32 s4, s8  }
0x1da: {  	[hbm4b:s24+s5] =	stream.linear.scatter [tilespmem:s26], [sflag:$0x9], $0xC800, $0x38;
	[tilespmem:$0x1F800] =	vst v63  }
0x1db: {  	_ =	swait.ge [sflag:s19], $0xC800  }
0x1dc: {  	[sflag:s19] =	ssyncset.done $0x0  }
0x1dd: {  	[sflag:s19] =	ssyncadd.s32 $0xFFFF3800  }
0x1de: {  	_ =	swait.ge [sflag:s20], $0xC800  }
0x1df: {  	s21 =	sadd.s32 $0x1, s21;
	s7 =	rddreg [dreg:$0x7]  }
0x1e0: {  	p0 =	sne.s32 s21, s7  }
.Ltmp5:
0x1e1: {  	_ = 	snop;
	(pc) =	sbr.rel @p0 .LBB2_1-.Ltmp5, $3  }
0x1e2: {  	_ =	sdelay $0x1  }
0x1e3: {  	[sflag:s20] =	ssyncset.done $0x0  }
0x1e4: {  	[sflag:s20] =	ssyncadd.s32 $0xFFFF3800  }
0x1e5: {  	_ =	sfence.sel $0x180000  }
0x1e6: {  	[bflag:$0x0] =	sbarrier.arrive $0xFFFF  }
0x1e7: {  	_ =	strace $0x90000047  }
0x1e8: {  	s0 =	stileid.u32;
	[bflag:$0x2] =	sbarrier.arrive $0xFFFF  }
0x1e9: {  	p0 =	sne.s32 s0, $0x0;
	s0 =	rddreg [dreg:$0x4]  }
0x1ea: {  	s0 =	sadd.s32 @!p0 $0x100000, s0  }
0x1eb: {  	[sflag:s0] =	ssyncadd.tile.s32 @!p0 $0x1;
	_ =	shalt  }
.Lfunc_end2:
_tile_overlayer_lowered:
.L_overlay_start_2:
0x1ec: {  	(tag) =	ssettag $0x2  }
0x1ed: {  	s0 =	rddreg [dreg:$0x0];
	s2 =	stileid.u32  }
0x1ee: {  	s1 =	rddreg [dreg:$0x1];
	p0 =	sne.s32 s2, $0x0  }
0x1ef: {  	s3 =	rddreg [dreg:$0x2];
	[bflag:$0x3] =	sbarrier.arrive $0xFFFF;
	s2 =	simm.s32 @!p0 $0x1C0A  }
0x1f0: {  	[timem:s3], [sflag:s2] =	dma.local @!p0 [hbm:s0], s1  }
0x1f1: {  	s0 =	simm.s32 @!p0 $0xA  }
0x1f2: {  	_ =	swait.ge @!p0 [sflag:s0], s1  }
0x1f3: {  	s1 =	ssub.s32 @!p0 $0x0, s1;
	[sflag:s0] =	ssyncset.done @!p0 $0x0  }
0x1f4: {  	[sflag:s0] =	ssyncadd.s32 @!p0 s1  }
0x1f5: {  	[bflag:$0x3] =	sbarrier.arrive $0xFFFF  }
0x1f6: {  	_ =	shalt  }

</sc_bundles>
